<compile_context>
chip_gen: v7x
topology: tpu7x:2x2x1
jax: 0.10.2.dev20260603
libtpu: 0.0.44.dev20260713+nightly
codegen_flags: <defaults>
</compile_context>

<pallas_src>
import functools

import jax
import jax.numpy as jnp
from jax import lax
from jax.experimental import pallas as pl
from jax.experimental.pallas import tpu as pltpu
from jax.experimental.pallas import tpu_sc as plsc

N_STIMULI = 30
N_DIM = 10
BATCH = 16384

NPAD = 32
_NC, _NS, _L = 2, 16, 16
_NW = _NC * _NS
_BPW = BATCH // _NW
_EPS = NPAD * NPAD // _NS

_EMB = (N_STIMULI + 1) * N_DIM
_W0 = _EMB
_S0 = _EMB + N_DIM
_PACK = 384
_SM0 = 304
_SMW = 32


def _rsqrt_newton(x):
    bits = plsc.bitcast(x, jnp.int32)
    y = plsc.bitcast(0x5F3759DF - (bits >> 1), jnp.float32)
    for _ in range(3):
        y = y * (1.5 - 0.5 * x * y * y)
    return y


@functools.lru_cache(maxsize=1)
def _make_sc_kernel():
    mesh = plsc.VectorSubcoreMesh(core_axis_name="c", subcore_axis_name="s")

    @functools.partial(
        pl.kernel,
        mesh=mesh,
        out_type=jax.ShapeDtypeStruct((BATCH,), jnp.float32),
        scratch_types=[
            pltpu.VMEM((2 * _BPW,), jnp.int32),
            pltpu.VMEM((_PACK,), jnp.float32),
            pltpu.VMEM((_EPS,), jnp.float32),
            pltpu.VMEM((NPAD * NPAD,), jnp.float32),
            pltpu.VMEM((_BPW,), jnp.float32),
            pltpu.VMEM_SHARED((NPAD * NPAD,), jnp.float32),
            pltpu.SemaphoreType.DMA,
            pltpu.SemaphoreType.DMA,
        ],
        compiler_params=pltpu.CompilerParams(needs_layout_passes=False),
    )
    def _sc_kernel(idx_hbm, pack_hbm, out_hbm,
                   idx_v, data_v, slice_v, tab_v, out_v, shared,
                   sem0, sem1):
        cid = lax.axis_index("c")
        sid = lax.axis_index("s")
        wid = sid * _NC + cid
        base = wid * _BPW

        idx_cp = pltpu.async_copy(idx_hbm.at[pl.ds(2 * base, 2 * _BPW)],
                                  idx_v, sem0)
        pltpu.sync_copy(pack_hbm, data_v)

        lane = lax.iota(jnp.int32, _L)

        def _splat(vec, pos):
            return jnp.sum(jnp.where(lane == pos, vec, 0.0))

        pv1 = data_v[pl.ds(_SM0, _L)]
        pv2 = data_v[pl.ds(_SM0 + _L, _L)]
        wks = [_splat(pv1, _W0 - _SM0 + k) for k in range(N_DIM)]
        lower = _splat(pv2, 0)
        upper = _splat(pv2, 1)
        midpt = _splat(pv2, 2)
        rate = _splat(pv2, 3)
        for v in range(_EPS // _L):
            d_off = sid * 2 + (v >> 1)
            i_raw = lane + (v & 1) * _L
            j_raw = (i_raw + d_off) & (NPAD - 1)
            iv = jnp.minimum(i_raw, N_STIMULI)
            jv = jnp.minimum(j_raw, N_STIMULI)
            d2 = jnp.zeros((_L,), jnp.float32)
            for k in range(N_DIM):
                a = plsc.load_gather(data_v, [iv * N_DIM + k])
                b = plsc.load_gather(data_v, [jv * N_DIM + k])
                wk = wks[k]
                diff = a - b
                d2 = d2 + wk * diff * diff
            d = d2 * _rsqrt_newton(d2)
            s = jnp.exp(-3.0 * d)
            slice_v[pl.ds(v * _L, _L)] = (
                lower + (upper - lower) / (1.0 + jnp.exp(-rate * (s - midpt))))
        pltpu.sync_copy(slice_v, shared.at[pl.ds(sid * _EPS, _EPS)])
        plsc.subcore_barrier()
        pltpu.sync_copy(shared, tab_v)

        idx_cp.wait()
        out_cps = []
        for c in range(4):
            def _lookup(mm, _, c=c):
                off = c * 256 + mm * _L
                iv = idx_v[pl.ds(off, _L)]
                jv = idx_v[pl.ds(off + 128, _L)]
                tpos = ((jv - iv) & (NPAD - 1)) * NPAD + iv
                out_v[pl.ds(c * 128 + mm * _L, _L)] = plsc.load_gather(
                    tab_v, [tpos])
                return 0

            lax.fori_loop(0, 8, _lookup, 0)
            out_cps.append(pltpu.async_copy(
                out_v.at[pl.ds(c * 128, 128)],
                out_hbm.at[pl.ds(base + c * 128, 128)], sem1))
        for cp in out_cps:
            cp.wait()

    return _sc_kernel


def kernel(rate2_stimulus_set, embedding, w, lower, upper, midpoint, rate):
    pack = jnp.concatenate([
        embedding.reshape(-1),
        w.astype(jnp.float32),
        jnp.stack([lower, upper, midpoint, rate]).astype(jnp.float32),
        jnp.zeros((_PACK - _S0 - 4,), jnp.float32),
    ])
    idx_flat = rate2_stimulus_set.reshape(128, 128, 2).transpose(0, 2, 1).reshape(-1)
    y = _make_sc_kernel()(idx_flat, pack)
    return y.reshape(BATCH, 1)

# --- scband reference (transcript-rebuilt; emitter-appended) ---
"""Pipeline reference for scband-rate-model-a-19250043421190 (READ-ONLY COPY).

The authoritative reference and input builder live on the scoring server;
editing this copy changes nothing except your own understanding.
"""

import jax, jax.numpy as jnp
import numpy as np

N_STIMULI = 30
N_DIM = 10
BATCH = 16384


def setup_inputs(seed: int = 0) -> dict:
    key = jax.random.key(seed)
    k_idx, k_emb = jax.random.split(key)
    # forward arg: stimulus index pairs, values in [0, n_stimuli] (0 is the mask id)
    rate2_stimulus_set = jax.random.randint(k_idx, (BATCH, 2), 0, N_STIMULI + 1, dtype=jnp.int32)
    # learned params
    # keras.layers.Embedding default init: uniform(-0.05, 0.05)
    embedding = jax.random.uniform(k_emb, (N_STIMULI + 1, N_DIM), dtype=jnp.float32, minval=-0.05, maxval=0.05)
    # Minkowski weights (trainable=False, Constant(1.0))
    w = jnp.ones((N_DIM,), dtype=jnp.float32)
    # Logistic layer params (psiz defaults): lower=0, upper=1, midpoint=0.5, rate=5
    lower = jnp.asarray(0.0, dtype=jnp.float32)
    upper = jnp.asarray(1.0, dtype=jnp.float32)
    midpoint = jnp.asarray(0.5, dtype=jnp.float32)
    rate = jnp.asarray(5.0, dtype=jnp.float32)
    return {
        "rate2_stimulus_set": rate2_stimulus_set,
        "embedding": embedding,
        "w": w,
        "lower": lower,
        "upper": upper,
        "midpoint": midpoint,
        "rate": rate,
    }


def reference(rate2_stimulus_set, embedding, w, lower, upper, midpoint, rate):
    # percept: embedding lookup -> [B, 2, n_dim]
    z = jnp.take(embedding, rate2_stimulus_set, axis=0)
    # split along stimuli axis
    z0 = z[:, 0:1, :]
    z1 = z[:, 1:2, :]
    # Minkowski distance, rho=2, w=1: d = (sum_i w_i |z0-z1|^rho)^(1/rho) -> [B, 1]
    rho = 2.0
    d = jnp.power(jnp.sum(w * jnp.power(jnp.abs(z0 - z1), rho), axis=-1), 1.0 / rho)
    # ExponentialSimilarity: s = exp(-beta * d^tau) + gamma, beta=3, tau=1, gamma=0
    beta, tau, gamma = 3.0, 1.0, 0.0
    s = jnp.exp(-beta * jnp.power(d, tau)) + gamma
    # Logistic: y = lower + (upper - lower) / (1 + exp(-rate * (s - midpoint)))
    y = lower + (upper - lower) / (1.0 + jnp.exp(-rate * (s - midpoint)))
    return y

if __name__ == "__main__":
    import jax
    _d = setup_inputs()
    print(jax.jit(kernel)(*tuple(_d.values())))

</pallas_src>

<mosaic_0001>
#map = affine_map<(d0, d1) -> (0)>
module attributes {stable_mosaic.version = 14 : i64} {
  func.func @_sc_kernel(%arg0: i32, %arg1: i32, %arg2: memref<32768xi32, #tpu.memory_space<hbm>>, %arg3: memref<384xf32, #tpu.memory_space<hbm>>, %arg4: memref<16384xf32, #tpu.memory_space<hbm>>, %arg5: memref<1024xi32, #tpu.memory_space<vmem>>, %arg6: memref<384xf32, #tpu.memory_space<vmem>>, %arg7: memref<64xf32, #tpu.memory_space<vmem>>, %arg8: memref<1024xf32, #tpu.memory_space<vmem>>, %arg9: memref<512xf32, #tpu.memory_space<vmem>>, %arg10: memref<1024xf32, #tpu.memory_space<vmem_shared>>, %arg11: memref<!tpu.dma_semaphore, #tpu.memory_space<semaphore_mem>>, %arg12: memref<!tpu.dma_semaphore, #tpu.memory_space<semaphore_mem>>) attributes {dimension_semantics = [#tpu.dimension_semantics<core_parallel>, #tpu.dimension_semantics<subcore_parallel>], iteration_bounds = array<i64: 2, 16>, scalar_prefetch = 0 : i64, scratch_operands = 8 : i64, tpu.core_type = #tpu.core_type<sc_vector_subcore>, window_params = [{transform_indices = #map}, {transform_indices = #map}, {transform_indices = #map}]} {
    %mul3A = arith.constant 2 : i32
    %mul3A_0 = arith.muli %arg1, %mul3A : i32
    %add3A = arith.addi %mul3A_0, %arg0 : i32
    %mul3A_1 = arith.constant 512 : i32
    %mul3A_2 = arith.muli %add3A, %mul3A_1 : i32
    %mul3A_3 = arith.constant 2 : i32
    %mul3A_4 = arith.muli %mul3A_3, %mul3A_2 : i32
    %dma_start3A = tpu.memref_slice %arg2[%mul3A_4] : memref<32768xi32, #tpu.memory_space<hbm>> -> memref<1024xi32, #tpu.memory_space<hbm>>
    %dma_start3A_5 = tpu.memref_slice %arg2[%mul3A_4] : memref<32768xi32, #tpu.memory_space<hbm>> -> memref<1024xi32, #tpu.memory_space<hbm>>
    tpu.enqueue_dma source(%dma_start3A_5 : memref<1024xi32, #tpu.memory_space<hbm>>) target(%arg5 : memref<1024xi32, #tpu.memory_space<vmem>>) target_semaphore(%arg11 : memref<!tpu.dma_semaphore, #tpu.memory_space<semaphore_mem>>)
    "tpu.region"() ({
      %run_scoped3A = tpu.sem_alloc : memref<!tpu.dma_semaphore, #tpu.memory_space<semaphore_mem>>
      tpu.enqueue_dma source(%arg3 : memref<384xf32, #tpu.memory_space<hbm>>) target(%arg6 : memref<384xf32, #tpu.memory_space<vmem>>) target_semaphore(%run_scoped3A : memref<!tpu.dma_semaphore, #tpu.memory_space<semaphore_mem>>)
      tpu.wait_dma2 semaphore(%run_scoped3A : memref<!tpu.dma_semaphore, #tpu.memory_space<semaphore_mem>>) src(%arg3 : memref<384xf32, #tpu.memory_space<hbm>>) dst(%arg6 : memref<384xf32, #tpu.memory_space<vmem>>)
      tpu.yield
    }) : () -> ()
    %iota3A = tpu.iota {dimensions = array<i32: 0>} : vector<16xi32>
    %get3A = arith.constant 304 : index
    %get3A_6 = tpu.vector_load %arg6[%get3A] {strides = array<i32>} : memref<384xf32, #tpu.memory_space<vmem>>, vector<16xf32>,
    %get3A_7 = arith.constant 320 : index
    %get3A_8 = tpu.vector_load %arg6[%get3A_7] {strides = array<i32>} : memref<384xf32, #tpu.memory_space<vmem>>, vector<16xf32>,
    %eq3A = arith.constant 6 : i32
    %eq3A_9 = vector.broadcast %eq3A : i32 to vector<16xi32>
    %eq3A_10 = arith.cmpi eq, %iota3A, %eq3A_9 : vector<16xi32>
    %jit3A = arith.constant 0.000000e+00 : f32
    %broadcast_in_dim3A = vector.broadcast %jit3A : f32 to vector<16xf32>
    %select_n3A = arith.select %eq3A_10, %get3A_6, %broadcast_in_dim3A : vector<16xi1>, vector<16xf32>
    %reduce_sum3A = arith.constant true
    %reduce_sum3A_11 = vector.broadcast %reduce_sum3A : i1 to vector<16xi1>
    %reduce_sum3A_12 = tpu.scan <sum>, %select_n3A masked %reduce_sum3A_11 : vector<16xf32>, vector<16xi1> -> vector<16xf32>
    %reduce_sum3A_13 = vector.extract %reduce_sum3A_12[15] : f32 from vector<16xf32>
    %eq3A_14 = arith.constant 7 : i32
    %eq3A_15 = vector.broadcast %eq3A_14 : i32 to vector<16xi32>
    %eq3A_16 = arith.cmpi eq, %iota3A, %eq3A_15 : vector<16xi32>
    %jit3A_17 = arith.constant 0.000000e+00 : f32
    %broadcast_in_dim3A_18 = vector.broadcast %jit3A_17 : f32 to vector<16xf32>
    %select_n3A_19 = arith.select %eq3A_16, %get3A_6, %broadcast_in_dim3A_18 : vector<16xi1>, vector<16xf32>
    %reduce_sum3A_20 = arith.constant true
    %reduce_sum3A_21 = vector.broadcast %reduce_sum3A_20 : i1 to vector<16xi1>
    %reduce_sum3A_22 = tpu.scan <sum>, %select_n3A_19 masked %reduce_sum3A_21 : vector<16xf32>, vector<16xi1> -> vector<16xf32>
    %reduce_sum3A_23 = vector.extract %reduce_sum3A_22[15] : f32 from vector<16xf32>
    %eq3A_24 = arith.constant 8 : i32
    %eq3A_25 = vector.broadcast %eq3A_24 : i32 to vector<16xi32>
    %eq3A_26 = arith.cmpi eq, %iota3A, %eq3A_25 : vector<16xi32>
    %jit3A_27 = arith.constant 0.000000e+00 : f32
    %broadcast_in_dim3A_28 = vector.broadcast %jit3A_27 : f32 to vector<16xf32>
    %select_n3A_29 = arith.select %eq3A_26, %get3A_6, %broadcast_in_dim3A_28 : vector<16xi1>, vector<16xf32>
    %reduce_sum3A_30 = arith.constant true
    %reduce_sum3A_31 = vector.broadcast %reduce_sum3A_30 : i1 to vector<16xi1>
    %reduce_sum3A_32 = tpu.scan <sum>, %select_n3A_29 masked %reduce_sum3A_31 : vector<16xf32>, vector<16xi1> -> vector<16xf32>
    %reduce_sum3A_33 = vector.extract %reduce_sum3A_32[15] : f32 from vector<16xf32>
    %eq3A_34 = arith.constant 9 : i32
    %eq3A_35 = vector.broadcast %eq3A_34 : i32 to vector<16xi32>
    %eq3A_36 = arith.cmpi eq, %iota3A, %eq3A_35 : vector<16xi32>
    %jit3A_37 = arith.constant 0.000000e+00 : f32
    %broadcast_in_dim3A_38 = vector.broadcast %jit3A_37 : f32 to vector<16xf32>
    %select_n3A_39 = arith.select %eq3A_36, %get3A_6, %broadcast_in_dim3A_38 : vector<16xi1>, vector<16xf32>
    %reduce_sum3A_40 = arith.constant true
    %reduce_sum3A_41 = vector.broadcast %reduce_sum3A_40 : i1 to vector<16xi1>
    %reduce_sum3A_42 = tpu.scan <sum>, %select_n3A_39 masked %reduce_sum3A_41 : vector<16xf32>, vector<16xi1> -> vector<16xf32>
    %reduce_sum3A_43 = vector.extract %reduce_sum3A_42[15] : f32 from vector<16xf32>
    %eq3A_44 = arith.constant 10 : i32
    %eq3A_45 = vector.broadcast %eq3A_44 : i32 to vector<16xi32>
    %eq3A_46 = arith.cmpi eq, %iota3A, %eq3A_45 : vector<16xi32>
    %jit3A_47 = arith.constant 0.000000e+00 : f32
    %broadcast_in_dim3A_48 = vector.broadcast %jit3A_47 : f32 to vector<16xf32>
    %select_n3A_49 = arith.select %eq3A_46, %get3A_6, %broadcast_in_dim3A_48 : vector<16xi1>, vector<16xf32>
    %reduce_sum3A_50 = arith.constant true
    %reduce_sum3A_51 = vector.broadcast %reduce_sum3A_50 : i1 to vector<16xi1>
    %reduce_sum3A_52 = tpu.scan <sum>, %select_n3A_49 masked %reduce_sum3A_51 : vector<16xf32>, vector<16xi1> -> vector<16xf32>
    %reduce_sum3A_53 = vector.extract %reduce_sum3A_52[15] : f32 from vector<16xf32>
    %eq3A_54 = arith.constant 11 : i32
    %eq3A_55 = vector.broadcast %eq3A_54 : i32 to vector<16xi32>
    %eq3A_56 = arith.cmpi eq, %iota3A, %eq3A_55 : vector<16xi32>
    %jit3A_57 = arith.constant 0.000000e+00 : f32
    %broadcast_in_dim3A_58 = vector.broadcast %jit3A_57 : f32 to vector<16xf32>
    %select_n3A_59 = arith.select %eq3A_56, %get3A_6, %broadcast_in_dim3A_58 : vector<16xi1>, vector<16xf32>
    %reduce_sum3A_60 = arith.constant true
    %reduce_sum3A_61 = vector.broadcast %reduce_sum3A_60 : i1 to vector<16xi1>
    %reduce_sum3A_62 = tpu.scan <sum>, %select_n3A_59 masked %reduce_sum3A_61 : vector<16xf32>, vector<16xi1> -> vector<16xf32>
    %reduce_sum3A_63 = vector.extract %reduce_sum3A_62[15] : f32 from vector<16xf32>
    %eq3A_64 = arith.constant 12 : i32
    %eq3A_65 = vector.broadcast %eq3A_64 : i32 to vector<16xi32>
    %eq3A_66 = arith.cmpi eq, %iota3A, %eq3A_65 : vector<16xi32>
    %jit3A_67 = arith.constant 0.000000e+00 : f32
    %broadcast_in_dim3A_68 = vector.broadcast %jit3A_67 : f32 to vector<16xf32>
    %select_n3A_69 = arith.select %eq3A_66, %get3A_6, %broadcast_in_dim3A_68 : vector<16xi1>, vector<16xf32>
    %reduce_sum3A_70 = arith.constant true
    %reduce_sum3A_71 = vector.broadcast %reduce_sum3A_70 : i1 to vector<16xi1>
    %reduce_sum3A_72 = tpu.scan <sum>, %select_n3A_69 masked %reduce_sum3A_71 : vector<16xf32>, vector<16xi1> -> vector<16xf32>
    %reduce_sum3A_73 = vector.extract %reduce_sum3A_72[15] : f32 from vector<16xf32>
    %eq3A_74 = arith.constant 13 : i32
    %eq3A_75 = vector.broadcast %eq3A_74 : i32 to vector<16xi32>
    %eq3A_76 = arith.cmpi eq, %iota3A, %eq3A_75 : vector<16xi32>
    %jit3A_77 = arith.constant 0.000000e+00 : f32
    %broadcast_in_dim3A_78 = vector.broadcast %jit3A_77 : f32 to vector<16xf32>
    %select_n3A_79 = arith.select %eq3A_76, %get3A_6, %broadcast_in_dim3A_78 : vector<16xi1>, vector<16xf32>
    %reduce_sum3A_80 = arith.constant true
    %reduce_sum3A_81 = vector.broadcast %reduce_sum3A_80 : i1 to vector<16xi1>
    %reduce_sum3A_82 = tpu.scan <sum>, %select_n3A_79 masked %reduce_sum3A_81 : vector<16xf32>, vector<16xi1> -> vector<16xf32>
    %reduce_sum3A_83 = vector.extract %reduce_sum3A_82[15] : f32 from vector<16xf32>
    %eq3A_84 = arith.constant 14 : i32
    %eq3A_85 = vector.broadcast %eq3A_84 : i32 to vector<16xi32>
    %eq3A_86 = arith.cmpi eq, %iota3A, %eq3A_85 : vector<16xi32>
    %jit3A_87 = arith.constant 0.000000e+00 : f32
    %broadcast_in_dim3A_88 = vector.broadcast %jit3A_87 : f32 to vector<16xf32>
    %select_n3A_89 = arith.select %eq3A_86, %get3A_6, %broadcast_in_dim3A_88 : vector<16xi1>, vector<16xf32>
    %reduce_sum3A_90 = arith.constant true
    %reduce_sum3A_91 = vector.broadcast %reduce_sum3A_90 : i1 to vector<16xi1>
    %reduce_sum3A_92 = tpu.scan <sum>, %select_n3A_89 masked %reduce_sum3A_91 : vector<16xf32>, vector<16xi1> -> vector<16xf32>
    %reduce_sum3A_93 = vector.extract %reduce_sum3A_92[15] : f32 from vector<16xf32>
    %eq3A_94 = arith.constant 15 : i32
    %eq3A_95 = vector.broadcast %eq3A_94 : i32 to vector<16xi32>
    %eq3A_96 = arith.cmpi eq, %iota3A, %eq3A_95 : vector<16xi32>
    %jit3A_97 = arith.constant 0.000000e+00 : f32
    %broadcast_in_dim3A_98 = vector.broadcast %jit3A_97 : f32 to vector<16xf32>
    %select_n3A_99 = arith.select %eq3A_96, %get3A_6, %broadcast_in_dim3A_98 : vector<16xi1>, vector<16xf32>
    %reduce_sum3A_100 = arith.constant true
    %reduce_sum3A_101 = vector.broadcast %reduce_sum3A_100 : i1 to vector<16xi1>
    %reduce_sum3A_102 = tpu.scan <sum>, %select_n3A_99 masked %reduce_sum3A_101 : vector<16xf32>, vector<16xi1> -> vector<16xf32>
    %reduce_sum3A_103 = vector.extract %reduce_sum3A_102[15] : f32 from vector<16xf32>
    %eq3A_104 = arith.constant 0 : i32
    %eq3A_105 = vector.broadcast %eq3A_104 : i32 to vector<16xi32>
    %eq3A_106 = arith.cmpi eq, %iota3A, %eq3A_105 : vector<16xi32>
    %jit3A_107 = arith.constant 0.000000e+00 : f32
    %broadcast_in_dim3A_108 = vector.broadcast %jit3A_107 : f32 to vector<16xf32>
    %select_n3A_109 = arith.select %eq3A_106, %get3A_8, %broadcast_in_dim3A_108 : vector<16xi1>, vector<16xf32>
    %reduce_sum3A_110 = arith.constant true
    %reduce_sum3A_111 = vector.broadcast %reduce_sum3A_110 : i1 to vector<16xi1>
    %reduce_sum3A_112 = tpu.scan <sum>, %select_n3A_109 masked %reduce_sum3A_111 : vector<16xf32>, vector<16xi1> -> vector<16xf32>
    %reduce_sum3A_113 = vector.extract %reduce_sum3A_112[15] : f32 from vector<16xf32>
    %eq3A_114 = arith.constant 1 : i32
    %eq3A_115 = vector.broadcast %eq3A_114 : i32 to vector<16xi32>
    %eq3A_116 = arith.cmpi eq, %iota3A, %eq3A_115 : vector<16xi32>
    %jit3A_117 = arith.constant 0.000000e+00 : f32
    %broadcast_in_dim3A_118 = vector.broadcast %jit3A_117 : f32 to vector<16xf32>
    %select_n3A_119 = arith.select %eq3A_116, %get3A_8, %broadcast_in_dim3A_118 : vector<16xi1>, vector<16xf32>
    %reduce_sum3A_120 = arith.constant true
    %reduce_sum3A_121 = vector.broadcast %reduce_sum3A_120 : i1 to vector<16xi1>
    %reduce_sum3A_122 = tpu.scan <sum>, %select_n3A_119 masked %reduce_sum3A_121 : vector<16xf32>, vector<16xi1> -> vector<16xf32>
    %reduce_sum3A_123 = vector.extract %reduce_sum3A_122[15] : f32 from vector<16xf32>
    %eq3A_124 = arith.constant 2 : i32
    %eq3A_125 = vector.broadcast %eq3A_124 : i32 to vector<16xi32>
    %eq3A_126 = arith.cmpi eq, %iota3A, %eq3A_125 : vector<16xi32>
    %jit3A_127 = arith.constant 0.000000e+00 : f32
    %broadcast_in_dim3A_128 = vector.broadcast %jit3A_127 : f32 to vector<16xf32>
    %select_n3A_129 = arith.select %eq3A_126, %get3A_8, %broadcast_in_dim3A_128 : vector<16xi1>, vector<16xf32>
    %reduce_sum3A_130 = arith.constant true
    %reduce_sum3A_131 = vector.broadcast %reduce_sum3A_130 : i1 to vector<16xi1>
    %reduce_sum3A_132 = tpu.scan <sum>, %select_n3A_129 masked %reduce_sum3A_131 : vector<16xf32>, vector<16xi1> -> vector<16xf32>
    %reduce_sum3A_133 = vector.extract %reduce_sum3A_132[15] : f32 from vector<16xf32>
    %eq3A_134 = arith.constant 3 : i32
    %eq3A_135 = vector.broadcast %eq3A_134 : i32 to vector<16xi32>
    %eq3A_136 = arith.cmpi eq, %iota3A, %eq3A_135 : vector<16xi32>
    %jit3A_137 = arith.constant 0.000000e+00 : f32
    %broadcast_in_dim3A_138 = vector.broadcast %jit3A_137 : f32 to vector<16xf32>
    %select_n3A_139 = arith.select %eq3A_136, %get3A_8, %broadcast_in_dim3A_138 : vector<16xi1>, vector<16xf32>
    %reduce_sum3A_140 = arith.constant true
    %reduce_sum3A_141 = vector.broadcast %reduce_sum3A_140 : i1 to vector<16xi1>
    %reduce_sum3A_142 = tpu.scan <sum>, %select_n3A_139 masked %reduce_sum3A_141 : vector<16xf32>, vector<16xi1> -> vector<16xf32>
    %reduce_sum3A_143 = vector.extract %reduce_sum3A_142[15] : f32 from vector<16xf32>
    %mul3A_144 = arith.constant 2 : i32
    %mul3A_145 = arith.muli %arg1, %mul3A_144 : i32
    %add3A_146 = arith.constant 0 : i32
    %add3A_147 = arith.addi %mul3A_145, %add3A_146 : i32
    %add3A_148 = arith.constant 0 : i32
    %add3A_149 = vector.broadcast %add3A_148 : i32 to vector<16xi32>
    %add3A_150 = arith.addi %iota3A, %add3A_149 : vector<16xi32>
    %add3A_151 = vector.broadcast %add3A_147 : i32 to vector<16xi32>
    %add3A_152 = arith.addi %add3A_150, %add3A_151 : vector<16xi32>
    %and3A = arith.constant 31 : i32
    %and3A_153 = vector.broadcast %and3A : i32 to vector<16xi32>
    %and3A_154 = arith.andi %add3A_152, %and3A_153 : vector<16xi32>
    %min3A = arith.constant 30 : i32
    %min3A_155 = vector.broadcast %min3A : i32 to vector<16xi32>
    %min3A_156 = arith.minsi %add3A_150, %min3A_155 : vector<16xi32>
    %min3A_157 = arith.constant 30 : i32
    %min3A_158 = vector.broadcast %min3A_157 : i32 to vector<16xi32>
    %min3A_159 = arith.minsi %and3A_154, %min3A_158 : vector<16xi32>
    %broadcast_in_dim3A_160 = arith.constant 0.000000e+00 : f32
    %broadcast_in_dim3A_161 = vector.broadcast %broadcast_in_dim3A_160 : f32 to vector<16xf32>
    %mul3A_162 = arith.constant 10 : i32
    %mul3A_163 = vector.broadcast %mul3A_162 : i32 to vector<16xi32>
    %mul3A_164 = arith.muli %min3A_156, %mul3A_163 : vector<16xi32>
    %add3A_165 = arith.constant 0 : i32
    %add3A_166 = vector.broadcast %add3A_165 : i32 to vector<16xi32>
    %add3A_167 = arith.addi %mul3A_164, %add3A_166 : vector<16xi32>
    %gather3A = tpu.vector_load_idx %arg6[%add3A_167] : memref<384xf32, #tpu.memory_space<vmem>>[vector<16xi32>], vector<16xf32>,
    %mul3A_168 = arith.constant 10 : i32
    %mul3A_169 = vector.broadcast %mul3A_168 : i32 to vector<16xi32>
    %mul3A_170 = arith.muli %min3A_159, %mul3A_169 : vector<16xi32>
    %add3A_171 = arith.constant 0 : i32
    %add3A_172 = vector.broadcast %add3A_171 : i32 to vector<16xi32>
    %add3A_173 = arith.addi %mul3A_170, %add3A_172 : vector<16xi32>
    %gather3A_174 = tpu.vector_load_idx %arg6[%add3A_173] : memref<384xf32, #tpu.memory_space<vmem>>[vector<16xi32>], vector<16xf32>,
    %sub3A = arith.subf %gather3A, %gather3A_174 : vector<16xf32>
    %mul3A_175 = vector.broadcast %reduce_sum3A_13 : f32 to vector<16xf32>
    %mul3A_176 = arith.mulf %mul3A_175, %sub3A : vector<16xf32>
    %mul3A_177 = arith.mulf %mul3A_176, %sub3A : vector<16xf32>
    %add3A_178 = arith.addf %broadcast_in_dim3A_161, %mul3A_177 : vector<16xf32>
    %mul3A_179 = arith.constant 10 : i32
    %mul3A_180 = vector.broadcast %mul3A_179 : i32 to vector<16xi32>
    %mul3A_181 = arith.muli %min3A_156, %mul3A_180 : vector<16xi32>
    %add3A_182 = arith.constant 1 : i32
    %add3A_183 = vector.broadcast %add3A_182 : i32 to vector<16xi32>
    %add3A_184 = arith.addi %mul3A_181, %add3A_183 : vector<16xi32>
    %gather3A_185 = tpu.vector_load_idx %arg6[%add3A_184] : memref<384xf32, #tpu.memory_space<vmem>>[vector<16xi32>], vector<16xf32>,
    %mul3A_186 = arith.constant 10 : i32
    %mul3A_187 = vector.broadcast %mul3A_186 : i32 to vector<16xi32>
    %mul3A_188 = arith.muli %min3A_159, %mul3A_187 : vector<16xi32>
    %add3A_189 = arith.constant 1 : i32
    %add3A_190 = vector.broadcast %add3A_189 : i32 to vector<16xi32>
    %add3A_191 = arith.addi %mul3A_188, %add3A_190 : vector<16xi32>
    %gather3A_192 = tpu.vector_load_idx %arg6[%add3A_191] : memref<384xf32, #tpu.memory_space<vmem>>[vector<16xi32>], vector<16xf32>,
    %sub3A_193 = arith.subf %gather3A_185, %gather3A_192 : vector<16xf32>
    %mul3A_194 = vector.broadcast %reduce_sum3A_23 : f32 to vector<16xf32>
    %mul3A_195 = arith.mulf %mul3A_194, %sub3A_193 : vector<16xf32>
    %mul3A_196 = arith.mulf %mul3A_195, %sub3A_193 : vector<16xf32>
    %add3A_197 = arith.addf %add3A_178, %mul3A_196 : vector<16xf32>
    %mul3A_198 = arith.constant 10 : i32
    %mul3A_199 = vector.broadcast %mul3A_198 : i32 to vector<16xi32>
    %mul3A_200 = arith.muli %min3A_156, %mul3A_199 : vector<16xi32>
    %add3A_201 = arith.constant 2 : i32
    %add3A_202 = vector.broadcast %add3A_201 : i32 to vector<16xi32>
    %add3A_203 = arith.addi %mul3A_200, %add3A_202 : vector<16xi32>
    %gather3A_204 = tpu.vector_load_idx %arg6[%add3A_203] : memref<384xf32, #tpu.memory_space<vmem>>[vector<16xi32>], vector<16xf32>,
    %mul3A_205 = arith.constant 10 : i32
    %mul3A_206 = vector.broadcast %mul3A_205 : i32 to vector<16xi32>
    %mul3A_207 = arith.muli %min3A_159, %mul3A_206 : vector<16xi32>
    %add3A_208 = arith.constant 2 : i32
    %add3A_209 = vector.broadcast %add3A_208 : i32 to vector<16xi32>
    %add3A_210 = arith.addi %mul3A_207, %add3A_209 : vector<16xi32>
    %gather3A_211 = tpu.vector_load_idx %arg6[%add3A_210] : memref<384xf32, #tpu.memory_space<vmem>>[vector<16xi32>], vector<16xf32>,
    %sub3A_212 = arith.subf %gather3A_204, %gather3A_211 : vector<16xf32>
    %mul3A_213 = vector.broadcast %reduce_sum3A_33 : f32 to vector<16xf32>
    %mul3A_214 = arith.mulf %mul3A_213, %sub3A_212 : vector<16xf32>
    %mul3A_215 = arith.mulf %mul3A_214, %sub3A_212 : vector<16xf32>
    %add3A_216 = arith.addf %add3A_197, %mul3A_215 : vector<16xf32>
    %mul3A_217 = arith.constant 10 : i32
    %mul3A_218 = vector.broadcast %mul3A_217 : i32 to vector<16xi32>
    %mul3A_219 = arith.muli %min3A_156, %mul3A_218 : vector<16xi32>
    %add3A_220 = arith.constant 3 : i32
    %add3A_221 = vector.broadcast %add3A_220 : i32 to vector<16xi32>
    %add3A_222 = arith.addi %mul3A_219, %add3A_221 : vector<16xi32>
    %gather3A_223 = tpu.vector_load_idx %arg6[%add3A_222] : memref<384xf32, #tpu.memory_space<vmem>>[vector<16xi32>], vector<16xf32>,
    %mul3A_224 = arith.constant 10 : i32
    %mul3A_225 = vector.broadcast %mul3A_224 : i32 to vector<16xi32>
    %mul3A_226 = arith.muli %min3A_159, %mul3A_225 : vector<16xi32>
    %add3A_227 = arith.constant 3 : i32
    %add3A_228 = vector.broadcast %add3A_227 : i32 to vector<16xi32>
    %add3A_229 = arith.addi %mul3A_226, %add3A_228 : vector<16xi32>
    %gather3A_230 = tpu.vector_load_idx %arg6[%add3A_229] : memref<384xf32, #tpu.memory_space<vmem>>[vector<16xi32>], vector<16xf32>,
    %sub3A_231 = arith.subf %gather3A_223, %gather3A_230 : vector<16xf32>
    %mul3A_232 = vector.broadcast %reduce_sum3A_43 : f32 to vector<16xf32>
    %mul3A_233 = arith.mulf %mul3A_232, %sub3A_231 : vector<16xf32>
    %mul3A_234 = arith.mulf %mul3A_233, %sub3A_231 : vector<16xf32>
    %add3A_235 = arith.addf %add3A_216, %mul3A_234 : vector<16xf32>
    %mul3A_236 = arith.constant 10 : i32
    %mul3A_237 = vector.broadcast %mul3A_236 : i32 to vector<16xi32>
    %mul3A_238 = arith.muli %min3A_156, %mul3A_237 : vector<16xi32>
    %add3A_239 = arith.constant 4 : i32
    %add3A_240 = vector.broadcast %add3A_239 : i32 to vector<16xi32>
    %add3A_241 = arith.addi %mul3A_238, %add3A_240 : vector<16xi32>
    %gather3A_242 = tpu.vector_load_idx %arg6[%add3A_241] : memref<384xf32, #tpu.memory_space<vmem>>[vector<16xi32>], vector<16xf32>,
    %mul3A_243 = arith.constant 10 : i32
    %mul3A_244 = vector.broadcast %mul3A_243 : i32 to vector<16xi32>
    %mul3A_245 = arith.muli %min3A_159, %mul3A_244 : vector<16xi32>
    %add3A_246 = arith.constant 4 : i32
    %add3A_247 = vector.broadcast %add3A_246 : i32 to vector<16xi32>
    %add3A_248 = arith.addi %mul3A_245, %add3A_247 : vector<16xi32>
    %gather3A_249 = tpu.vector_load_idx %arg6[%add3A_248] : memref<384xf32, #tpu.memory_space<vmem>>[vector<16xi32>], vector<16xf32>,
    %sub3A_250 = arith.subf %gather3A_242, %gather3A_249 : vector<16xf32>
    %mul3A_251 = vector.broadcast %reduce_sum3A_53 : f32 to vector<16xf32>
    %mul3A_252 = arith.mulf %mul3A_251, %sub3A_250 : vector<16xf32>
    %mul3A_253 = arith.mulf %mul3A_252, %sub3A_250 : vector<16xf32>
    %add3A_254 = arith.addf %add3A_235, %mul3A_253 : vector<16xf32>
    %mul3A_255 = arith.constant 10 : i32
    %mul3A_256 = vector.broadcast %mul3A_255 : i32 to vector<16xi32>
    %mul3A_257 = arith.muli %min3A_156, %mul3A_256 : vector<16xi32>
    %add3A_258 = arith.constant 5 : i32
    %add3A_259 = vector.broadcast %add3A_258 : i32 to vector<16xi32>
    %add3A_260 = arith.addi %mul3A_257, %add3A_259 : vector<16xi32>
    %gather3A_261 = tpu.vector_load_idx %arg6[%add3A_260] : memref<384xf32, #tpu.memory_space<vmem>>[vector<16xi32>], vector<16xf32>,
    %mul3A_262 = arith.constant 10 : i32
    %mul3A_263 = vector.broadcast %mul3A_262 : i32 to vector<16xi32>
    %mul3A_264 = arith.muli %min3A_159, %mul3A_263 : vector<16xi32>
    %add3A_265 = arith.constant 5 : i32
    %add3A_266 = vector.broadcast %add3A_265 : i32 to vector<16xi32>
    %add3A_267 = arith.addi %mul3A_264, %add3A_266 : vector<16xi32>
    %gather3A_268 = tpu.vector_load_idx %arg6[%add3A_267] : memref<384xf32, #tpu.memory_space<vmem>>[vector<16xi32>], vector<16xf32>,
    %sub3A_269 = arith.subf %gather3A_261, %gather3A_268 : vector<16xf32>
    %mul3A_270 = vector.broadcast %reduce_sum3A_63 : f32 to vector<16xf32>
    %mul3A_271 = arith.mulf %mul3A_270, %sub3A_269 : vector<16xf32>
    %mul3A_272 = arith.mulf %mul3A_271, %sub3A_269 : vector<16xf32>
    %add3A_273 = arith.addf %add3A_254, %mul3A_272 : vector<16xf32>
    %mul3A_274 = arith.constant 10 : i32
    %mul3A_275 = vector.broadcast %mul3A_274 : i32 to vector<16xi32>
    %mul3A_276 = arith.muli %min3A_156, %mul3A_275 : vector<16xi32>
    %add3A_277 = arith.constant 6 : i32
    %add3A_278 = vector.broadcast %add3A_277 : i32 to vector<16xi32>
    %add3A_279 = arith.addi %mul3A_276, %add3A_278 : vector<16xi32>
    %gather3A_280 = tpu.vector_load_idx %arg6[%add3A_279] : memref<384xf32, #tpu.memory_space<vmem>>[vector<16xi32>], vector<16xf32>,
    %mul3A_281 = arith.constant 10 : i32
    %mul3A_282 = vector.broadcast %mul3A_281 : i32 to vector<16xi32>
    %mul3A_283 = arith.muli %min3A_159, %mul3A_282 : vector<16xi32>
    %add3A_284 = arith.constant 6 : i32
    %add3A_285 = vector.broadcast %add3A_284 : i32 to vector<16xi32>
    %add3A_286 = arith.addi %mul3A_283, %add3A_285 : vector<16xi32>
    %gather3A_287 = tpu.vector_load_idx %arg6[%add3A_286] : memref<384xf32, #tpu.memory_space<vmem>>[vector<16xi32>], vector<16xf32>,
    %sub3A_288 = arith.subf %gather3A_280, %gather3A_287 : vector<16xf32>
    %mul3A_289 = vector.broadcast %reduce_sum3A_73 : f32 to vector<16xf32>
    %mul3A_290 = arith.mulf %mul3A_289, %sub3A_288 : vector<16xf32>
    %mul3A_291 = arith.mulf %mul3A_290, %sub3A_288 : vector<16xf32>
    %add3A_292 = arith.addf %add3A_273, %mul3A_291 : vector<16xf32>
    %mul3A_293 = arith.constant 10 : i32
    %mul3A_294 = vector.broadcast %mul3A_293 : i32 to vector<16xi32>
    %mul3A_295 = arith.muli %min3A_156, %mul3A_294 : vector<16xi32>
    %add3A_296 = arith.constant 7 : i32
    %add3A_297 = vector.broadcast %add3A_296 : i32 to vector<16xi32>
    %add3A_298 = arith.addi %mul3A_295, %add3A_297 : vector<16xi32>
    %gather3A_299 = tpu.vector_load_idx %arg6[%add3A_298] : memref<384xf32, #tpu.memory_space<vmem>>[vector<16xi32>], vector<16xf32>,
    %mul3A_300 = arith.constant 10 : i32
    %mul3A_301 = vector.broadcast %mul3A_300 : i32 to vector<16xi32>
    %mul3A_302 = arith.muli %min3A_159, %mul3A_301 : vector<16xi32>
    %add3A_303 = arith.constant 7 : i32
    %add3A_304 = vector.broadcast %add3A_303 : i32 to vector<16xi32>
    %add3A_305 = arith.addi %mul3A_302, %add3A_304 : vector<16xi32>
    %gather3A_306 = tpu.vector_load_idx %arg6[%add3A_305] : memref<384xf32, #tpu.memory_space<vmem>>[vector<16xi32>], vector<16xf32>,
    %sub3A_307 = arith.subf %gather3A_299, %gather3A_306 : vector<16xf32>
    %mul3A_308 = vector.broadcast %reduce_sum3A_83 : f32 to vector<16xf32>
    %mul3A_309 = arith.mulf %mul3A_308, %sub3A_307 : vector<16xf32>
    %mul3A_310 = arith.mulf %mul3A_309, %sub3A_307 : vector<16xf32>
    %add3A_311 = arith.addf %add3A_292, %mul3A_310 : vector<16xf32>
    %mul3A_312 = arith.constant 10 : i32
    %mul3A_313 = vector.broadcast %mul3A_312 : i32 to vector<16xi32>
    %mul3A_314 = arith.muli %min3A_156, %mul3A_313 : vector<16xi32>
    %add3A_315 = arith.constant 8 : i32
    %add3A_316 = vector.broadcast %add3A_315 : i32 to vector<16xi32>
    %add3A_317 = arith.addi %mul3A_314, %add3A_316 : vector<16xi32>
    %gather3A_318 = tpu.vector_load_idx %arg6[%add3A_317] : memref<384xf32, #tpu.memory_space<vmem>>[vector<16xi32>], vector<16xf32>,
    %mul3A_319 = arith.constant 10 : i32
    %mul3A_320 = vector.broadcast %mul3A_319 : i32 to vector<16xi32>
    %mul3A_321 = arith.muli %min3A_159, %mul3A_320 : vector<16xi32>
    %add3A_322 = arith.constant 8 : i32
    %add3A_323 = vector.broadcast %add3A_322 : i32 to vector<16xi32>
    %add3A_324 = arith.addi %mul3A_321, %add3A_323 : vector<16xi32>
    %gather3A_325 = tpu.vector_load_idx %arg6[%add3A_324] : memref<384xf32, #tpu.memory_space<vmem>>[vector<16xi32>], vector<16xf32>,
    %sub3A_326 = arith.subf %gather3A_318, %gather3A_325 : vector<16xf32>
    %mul3A_327 = vector.broadcast %reduce_sum3A_93 : f32 to vector<16xf32>
    %mul3A_328 = arith.mulf %mul3A_327, %sub3A_326 : vector<16xf32>
    %mul3A_329 = arith.mulf %mul3A_328, %sub3A_326 : vector<16xf32>
    %add3A_330 = arith.addf %add3A_311, %mul3A_329 : vector<16xf32>
    %mul3A_331 = arith.constant 10 : i32
    %mul3A_332 = vector.broadcast %mul3A_331 : i32 to vector<16xi32>
    %mul3A_333 = arith.muli %min3A_156, %mul3A_332 : vector<16xi32>
    %add3A_334 = arith.constant 9 : i32
    %add3A_335 = vector.broadcast %add3A_334 : i32 to vector<16xi32>
    %add3A_336 = arith.addi %mul3A_333, %add3A_335 : vector<16xi32>
    %gather3A_337 = tpu.vector_load_idx %arg6[%add3A_336] : memref<384xf32, #tpu.memory_space<vmem>>[vector<16xi32>], vector<16xf32>,
    %mul3A_338 = arith.constant 10 : i32
    %mul3A_339 = vector.broadcast %mul3A_338 : i32 to vector<16xi32>
    %mul3A_340 = arith.muli %min3A_159, %mul3A_339 : vector<16xi32>
    %add3A_341 = arith.constant 9 : i32
    %add3A_342 = vector.broadcast %add3A_341 : i32 to vector<16xi32>
    %add3A_343 = arith.addi %mul3A_340, %add3A_342 : vector<16xi32>
    %gather3A_344 = tpu.vector_load_idx %arg6[%add3A_343] : memref<384xf32, #tpu.memory_space<vmem>>[vector<16xi32>], vector<16xf32>,
    %sub3A_345 = arith.subf %gather3A_337, %gather3A_344 : vector<16xf32>
    %mul3A_346 = vector.broadcast %reduce_sum3A_103 : f32 to vector<16xf32>
    %mul3A_347 = arith.mulf %mul3A_346, %sub3A_345 : vector<16xf32>
    %mul3A_348 = arith.mulf %mul3A_347, %sub3A_345 : vector<16xf32>
    %add3A_349 = arith.addf %add3A_330, %mul3A_348 : vector<16xf32>
    %bitcast3A = vector.bitcast %add3A_349 : vector<16xf32> to vector<16xi32>
    %shift_right_arithmetic3A = arith.constant 1 : i32
    %shift_right_arithmetic3A_350 = vector.broadcast %shift_right_arithmetic3A : i32 to vector<16xi32>
    %shift_right_arithmetic3A_351 = arith.shrsi %bitcast3A, %shift_right_arithmetic3A_350 : vector<16xi32>
    %sub3A_352 = arith.constant 1597463007 : i32
    %sub3A_353 = vector.broadcast %sub3A_352 : i32 to vector<16xi32>
    %sub3A_354 = arith.subi %sub3A_353, %shift_right_arithmetic3A_351 : vector<16xi32>
    %bitcast3A_355 = vector.bitcast %sub3A_354 : vector<16xi32> to vector<16xf32>
    %mul3A_356 = arith.constant 5.000000e-01 : f32
    %mul3A_357 = vector.broadcast %mul3A_356 : f32 to vector<16xf32>
    %mul3A_358 = arith.mulf %mul3A_357, %add3A_349 : vector<16xf32>
    %mul3A_359 = arith.mulf %mul3A_358, %bitcast3A_355 : vector<16xf32>
    %mul3A_360 = arith.mulf %mul3A_359, %bitcast3A_355 : vector<16xf32>
    %sub3A_361 = arith.constant 1.500000e+00 : f32
    %sub3A_362 = vector.broadcast %sub3A_361 : f32 to vector<16xf32>
    %sub3A_363 = arith.subf %sub3A_362, %mul3A_360 : vector<16xf32>
    %mul3A_364 = arith.mulf %bitcast3A_355, %sub3A_363 : vector<16xf32>
    %mul3A_365 = arith.constant 5.000000e-01 : f32
    %mul3A_366 = vector.broadcast %mul3A_365 : f32 to vector<16xf32>
    %mul3A_367 = arith.mulf %mul3A_366, %add3A_349 : vector<16xf32>
    %mul3A_368 = arith.mulf %mul3A_367, %mul3A_364 : vector<16xf32>
    %mul3A_369 = arith.mulf %mul3A_368, %mul3A_364 : vector<16xf32>
    %sub3A_370 = arith.constant 1.500000e+00 : f32
    %sub3A_371 = vector.broadcast %sub3A_370 : f32 to vector<16xf32>
    %sub3A_372 = arith.subf %sub3A_371, %mul3A_369 : vector<16xf32>
    %mul3A_373 = arith.mulf %mul3A_364, %sub3A_372 : vector<16xf32>
    %mul3A_374 = arith.constant 5.000000e-01 : f32
    %mul3A_375 = vector.broadcast %mul3A_374 : f32 to vector<16xf32>
    %mul3A_376 = arith.mulf %mul3A_375, %add3A_349 : vector<16xf32>
    %mul3A_377 = arith.mulf %mul3A_376, %mul3A_373 : vector<16xf32>
    %mul3A_378 = arith.mulf %mul3A_377, %mul3A_373 : vector<16xf32>
    %sub3A_379 = arith.constant 1.500000e+00 : f32
    %sub3A_380 = vector.broadcast %sub3A_379 : f32 to vector<16xf32>
    %sub3A_381 = arith.subf %sub3A_380, %mul3A_378 : vector<16xf32>
    %mul3A_382 = arith.mulf %mul3A_373, %sub3A_381 : vector<16xf32>
    %mul3A_383 = arith.mulf %add3A_349, %mul3A_382 : vector<16xf32>
    %mul3A_384 = arith.constant -3.000000e+00 : f32
    %mul3A_385 = vector.broadcast %mul3A_384 : f32 to vector<16xf32>
    %mul3A_386 = arith.mulf %mul3A_385, %mul3A_383 : vector<16xf32>
    %exp3A = math.exp %mul3A_386 : vector<16xf32>
    %sub3A_387 = arith.subf %reduce_sum3A_123, %reduce_sum3A_113 : f32
    %neg3A = arith.constant 0.000000e+00 : f32
    %neg3A_388 = arith.subf %neg3A, %reduce_sum3A_143 : f32
    %sub3A_389 = vector.broadcast %reduce_sum3A_133 : f32 to vector<16xf32>
    %sub3A_390 = arith.subf %exp3A, %sub3A_389 : vector<16xf32>
    %mul3A_391 = vector.broadcast %neg3A_388 : f32 to vector<16xf32>
    %mul3A_392 = arith.mulf %mul3A_391, %sub3A_390 : vector<16xf32>
    %exp3A_393 = math.exp %mul3A_392 : vector<16xf32>
    %add3A_394 = arith.constant 1.000000e+00 : f32
    %add3A_395 = vector.broadcast %add3A_394 : f32 to vector<16xf32>
    %add3A_396 = arith.addf %add3A_395, %exp3A_393 : vector<16xf32>
    %div3A = vector.broadcast %sub3A_387 : f32 to vector<16xf32>
    %div3A_397 = arith.divf %div3A, %add3A_396 : vector<16xf32>
    %add3A_398 = vector.broadcast %reduce_sum3A_113 : f32 to vector<16xf32>
    %add3A_399 = arith.addf %add3A_398, %div3A_397 : vector<16xf32>
    %swap3A = arith.constant 0 : index
    %swap3A_400 = tpu.vector_load %arg7[%swap3A] {strides = array<i32>} : memref<64xf32, #tpu.memory_space<vmem>>, vector<16xf32>,
    tpu.vector_store %arg7[%swap3A], %add3A_399 {strides = array<i32>} : memref<64xf32, #tpu.memory_space<vmem>>, vector<16xf32>,
    %mul3A_401 = arith.constant 2 : i32
    %mul3A_402 = arith.muli %arg1, %mul3A_401 : i32
    %add3A_403 = arith.constant 0 : i32
    %add3A_404 = arith.addi %mul3A_402, %add3A_403 : i32
    %add3A_405 = arith.constant 16 : i32
    %add3A_406 = vector.broadcast %add3A_405 : i32 to vector<16xi32>
    %add3A_407 = arith.addi %iota3A, %add3A_406 : vector<16xi32>
    %add3A_408 = vector.broadcast %add3A_404 : i32 to vector<16xi32>
    %add3A_409 = arith.addi %add3A_407, %add3A_408 : vector<16xi32>
    %and3A_410 = arith.constant 31 : i32
    %and3A_411 = vector.broadcast %and3A_410 : i32 to vector<16xi32>
    %and3A_412 = arith.andi %add3A_409, %and3A_411 : vector<16xi32>
    %min3A_413 = arith.constant 30 : i32
    %min3A_414 = vector.broadcast %min3A_413 : i32 to vector<16xi32>
    %min3A_415 = arith.minsi %add3A_407, %min3A_414 : vector<16xi32>
    %min3A_416 = arith.constant 30 : i32
    %min3A_417 = vector.broadcast %min3A_416 : i32 to vector<16xi32>
    %min3A_418 = arith.minsi %and3A_412, %min3A_417 : vector<16xi32>
    %broadcast_in_dim3A_419 = arith.constant 0.000000e+00 : f32
    %broadcast_in_dim3A_420 = vector.broadcast %broadcast_in_dim3A_419 : f32 to vector<16xf32>
    %mul3A_421 = arith.constant 10 : i32
    %mul3A_422 = vector.broadcast %mul3A_421 : i32 to vector<16xi32>
    %mul3A_423 = arith.muli %min3A_415, %mul3A_422 : vector<16xi32>
    %add3A_424 = arith.constant 0 : i32
    %add3A_425 = vector.broadcast %add3A_424 : i32 to vector<16xi32>
    %add3A_426 = arith.addi %mul3A_423, %add3A_425 : vector<16xi32>
    %gather3A_427 = tpu.vector_load_idx %arg6[%add3A_426] : memref<384xf32, #tpu.memory_space<vmem>>[vector<16xi32>], vector<16xf32>,
    %mul3A_428 = arith.constant 10 : i32
    %mul3A_429 = vector.broadcast %mul3A_428 : i32 to vector<16xi32>
    %mul3A_430 = arith.muli %min3A_418, %mul3A_429 : vector<16xi32>
    %add3A_431 = arith.constant 0 : i32
    %add3A_432 = vector.broadcast %add3A_431 : i32 to vector<16xi32>
    %add3A_433 = arith.addi %mul3A_430, %add3A_432 : vector<16xi32>
    %gather3A_434 = tpu.vector_load_idx %arg6[%add3A_433] : memref<384xf32, #tpu.memory_space<vmem>>[vector<16xi32>], vector<16xf32>,
    %sub3A_435 = arith.subf %gather3A_427, %gather3A_434 : vector<16xf32>
    %mul3A_436 = vector.broadcast %reduce_sum3A_13 : f32 to vector<16xf32>
    %mul3A_437 = arith.mulf %mul3A_436, %sub3A_435 : vector<16xf32>
    %mul3A_438 = arith.mulf %mul3A_437, %sub3A_435 : vector<16xf32>
    %add3A_439 = arith.addf %broadcast_in_dim3A_420, %mul3A_438 : vector<16xf32>
    %mul3A_440 = arith.constant 10 : i32
    %mul3A_441 = vector.broadcast %mul3A_440 : i32 to vector<16xi32>
    %mul3A_442 = arith.muli %min3A_415, %mul3A_441 : vector<16xi32>
    %add3A_443 = arith.constant 1 : i32
    %add3A_444 = vector.broadcast %add3A_443 : i32 to vector<16xi32>
    %add3A_445 = arith.addi %mul3A_442, %add3A_444 : vector<16xi32>
    %gather3A_446 = tpu.vector_load_idx %arg6[%add3A_445] : memref<384xf32, #tpu.memory_space<vmem>>[vector<16xi32>], vector<16xf32>,
    %mul3A_447 = arith.constant 10 : i32
    %mul3A_448 = vector.broadcast %mul3A_447 : i32 to vector<16xi32>
    %mul3A_449 = arith.muli %min3A_418, %mul3A_448 : vector<16xi32>
    %add3A_450 = arith.constant 1 : i32
    %add3A_451 = vector.broadcast %add3A_450 : i32 to vector<16xi32>
    %add3A_452 = arith.addi %mul3A_449, %add3A_451 : vector<16xi32>
    %gather3A_453 = tpu.vector_load_idx %arg6[%add3A_452] : memref<384xf32, #tpu.memory_space<vmem>>[vector<16xi32>], vector<16xf32>,
    %sub3A_454 = arith.subf %gather3A_446, %gather3A_453 : vector<16xf32>
    %mul3A_455 = vector.broadcast %reduce_sum3A_23 : f32 to vector<16xf32>
    %mul3A_456 = arith.mulf %mul3A_455, %sub3A_454 : vector<16xf32>
    %mul3A_457 = arith.mulf %mul3A_456, %sub3A_454 : vector<16xf32>
    %add3A_458 = arith.addf %add3A_439, %mul3A_457 : vector<16xf32>
    %mul3A_459 = arith.constant 10 : i32
    %mul3A_460 = vector.broadcast %mul3A_459 : i32 to vector<16xi32>
    %mul3A_461 = arith.muli %min3A_415, %mul3A_460 : vector<16xi32>
    %add3A_462 = arith.constant 2 : i32
    %add3A_463 = vector.broadcast %add3A_462 : i32 to vector<16xi32>
    %add3A_464 = arith.addi %mul3A_461, %add3A_463 : vector<16xi32>
    %gather3A_465 = tpu.vector_load_idx %arg6[%add3A_464] : memref<384xf32, #tpu.memory_space<vmem>>[vector<16xi32>], vector<16xf32>,
    %mul3A_466 = arith.constant 10 : i32
    %mul3A_467 = vector.broadcast %mul3A_466 : i32 to vector<16xi32>
    %mul3A_468 = arith.muli %min3A_418, %mul3A_467 : vector<16xi32>
    %add3A_469 = arith.constant 2 : i32
    %add3A_470 = vector.broadcast %add3A_469 : i32 to vector<16xi32>
    %add3A_471 = arith.addi %mul3A_468, %add3A_470 : vector<16xi32>
    %gather3A_472 = tpu.vector_load_idx %arg6[%add3A_471] : memref<384xf32, #tpu.memory_space<vmem>>[vector<16xi32>], vector<16xf32>,
    %sub3A_473 = arith.subf %gather3A_465, %gather3A_472 : vector<16xf32>
    %mul3A_474 = vector.broadcast %reduce_sum3A_33 : f32 to vector<16xf32>
    %mul3A_475 = arith.mulf %mul3A_474, %sub3A_473 : vector<16xf32>
    %mul3A_476 = arith.mulf %mul3A_475, %sub3A_473 : vector<16xf32>
    %add3A_477 = arith.addf %add3A_458, %mul3A_476 : vector<16xf32>
    %mul3A_478 = arith.constant 10 : i32
    %mul3A_479 = vector.broadcast %mul3A_478 : i32 to vector<16xi32>
    %mul3A_480 = arith.muli %min3A_415, %mul3A_479 : vector<16xi32>
    %add3A_481 = arith.constant 3 : i32
    %add3A_482 = vector.broadcast %add3A_481 : i32 to vector<16xi32>
    %add3A_483 = arith.addi %mul3A_480, %add3A_482 : vector<16xi32>
    %gather3A_484 = tpu.vector_load_idx %arg6[%add3A_483] : memref<384xf32, #tpu.memory_space<vmem>>[vector<16xi32>], vector<16xf32>,
    %mul3A_485 = arith.constant 10 : i32
    %mul3A_486 = vector.broadcast %mul3A_485 : i32 to vector<16xi32>
    %mul3A_487 = arith.muli %min3A_418, %mul3A_486 : vector<16xi32>
    %add3A_488 = arith.constant 3 : i32
    %add3A_489 = vector.broadcast %add3A_488 : i32 to vector<16xi32>
    %add3A_490 = arith.addi %mul3A_487, %add3A_489 : vector<16xi32>
    %gather3A_491 = tpu.vector_load_idx %arg6[%add3A_490] : memref<384xf32, #tpu.memory_space<vmem>>[vector<16xi32>], vector<16xf32>,
    %sub3A_492 = arith.subf %gather3A_484, %gather3A_491 : vector<16xf32>
    %mul3A_493 = vector.broadcast %reduce_sum3A_43 : f32 to vector<16xf32>
    %mul3A_494 = arith.mulf %mul3A_493, %sub3A_492 : vector<16xf32>
    %mul3A_495 = arith.mulf %mul3A_494, %sub3A_492 : vector<16xf32>
    %add3A_496 = arith.addf %add3A_477, %mul3A_495 : vector<16xf32>
    %mul3A_497 = arith.constant 10 : i32
    %mul3A_498 = vector.broadcast %mul3A_497 : i32 to vector<16xi32>
    %mul3A_499 = arith.muli %min3A_415, %mul3A_498 : vector<16xi32>
    %add3A_500 = arith.constant 4 : i32
    %add3A_501 = vector.broadcast %add3A_500 : i32 to vector<16xi32>
    %add3A_502 = arith.addi %mul3A_499, %add3A_501 : vector<16xi32>
    %gather3A_503 = tpu.vector_load_idx %arg6[%add3A_502] : memref<384xf32, #tpu.memory_space<vmem>>[vector<16xi32>], vector<16xf32>,
    %mul3A_504 = arith.constant 10 : i32
    %mul3A_505 = vector.broadcast %mul3A_504 : i32 to vector<16xi32>
    %mul3A_506 = arith.muli %min3A_418, %mul3A_505 : vector<16xi32>
    %add3A_507 = arith.constant 4 : i32
    %add3A_508 = vector.broadcast %add3A_507 : i32 to vector<16xi32>
    %add3A_509 = arith.addi %mul3A_506, %add3A_508 : vector<16xi32>
    %gather3A_510 = tpu.vector_load_idx %arg6[%add3A_509] : memref<384xf32, #tpu.memory_space<vmem>>[vector<16xi32>], vector<16xf32>,
    %sub3A_511 = arith.subf %gather3A_503, %gather3A_510 : vector<16xf32>
    %mul3A_512 = vector.broadcast %reduce_sum3A_53 : f32 to vector<16xf32>
    %mul3A_513 = arith.mulf %mul3A_512, %sub3A_511 : vector<16xf32>
    %mul3A_514 = arith.mulf %mul3A_513, %sub3A_511 : vector<16xf32>
    %add3A_515 = arith.addf %add3A_496, %mul3A_514 : vector<16xf32>
    %mul3A_516 = arith.constant 10 : i32
    %mul3A_517 = vector.broadcast %mul3A_516 : i32 to vector<16xi32>
    %mul3A_518 = arith.muli %min3A_415, %mul3A_517 : vector<16xi32>
    %add3A_519 = arith.constant 5 : i32
    %add3A_520 = vector.broadcast %add3A_519 : i32 to vector<16xi32>
    %add3A_521 = arith.addi %mul3A_518, %add3A_520 : vector<16xi32>
    %gather3A_522 = tpu.vector_load_idx %arg6[%add3A_521] : memref<384xf32, #tpu.memory_space<vmem>>[vector<16xi32>], vector<16xf32>,
    %mul3A_523 = arith.constant 10 : i32
    %mul3A_524 = vector.broadcast %mul3A_523 : i32 to vector<16xi32>
    %mul3A_525 = arith.muli %min3A_418, %mul3A_524 : vector<16xi32>
    %add3A_526 = arith.constant 5 : i32
    %add3A_527 = vector.broadcast %add3A_526 : i32 to vector<16xi32>
    %add3A_528 = arith.addi %mul3A_525, %add3A_527 : vector<16xi32>
    %gather3A_529 = tpu.vector_load_idx %arg6[%add3A_528] : memref<384xf32, #tpu.memory_space<vmem>>[vector<16xi32>], vector<16xf32>,
    %sub3A_530 = arith.subf %gather3A_522, %gather3A_529 : vector<16xf32>
    %mul3A_531 = vector.broadcast %reduce_sum3A_63 : f32 to vector<16xf32>
    %mul3A_532 = arith.mulf %mul3A_531, %sub3A_530 : vector<16xf32>
    %mul3A_533 = arith.mulf %mul3A_532, %sub3A_530 : vector<16xf32>
    %add3A_534 = arith.addf %add3A_515, %mul3A_533 : vector<16xf32>
    %mul3A_535 = arith.constant 10 : i32
    %mul3A_536 = vector.broadcast %mul3A_535 : i32 to vector<16xi32>
    %mul3A_537 = arith.muli %min3A_415, %mul3A_536 : vector<16xi32>
    %add3A_538 = arith.constant 6 : i32
    %add3A_539 = vector.broadcast %add3A_538 : i32 to vector<16xi32>
    %add3A_540 = arith.addi %mul3A_537, %add3A_539 : vector<16xi32>
    %gather3A_541 = tpu.vector_load_idx %arg6[%add3A_540] : memref<384xf32, #tpu.memory_space<vmem>>[vector<16xi32>], vector<16xf32>,
    %mul3A_542 = arith.constant 10 : i32
    %mul3A_543 = vector.broadcast %mul3A_542 : i32 to vector<16xi32>
    %mul3A_544 = arith.muli %min3A_418, %mul3A_543 : vector<16xi32>
    %add3A_545 = arith.constant 6 : i32
    %add3A_546 = vector.broadcast %add3A_545 : i32 to vector<16xi32>
    %add3A_547 = arith.addi %mul3A_544, %add3A_546 : vector<16xi32>
    %gather3A_548 = tpu.vector_load_idx %arg6[%add3A_547] : memref<384xf32, #tpu.memory_space<vmem>>[vector<16xi32>], vector<16xf32>,
    %sub3A_549 = arith.subf %gather3A_541, %gather3A_548 : vector<16xf32>
    %mul3A_550 = vector.broadcast %reduce_sum3A_73 : f32 to vector<16xf32>
    %mul3A_551 = arith.mulf %mul3A_550, %sub3A_549 : vector<16xf32>
    %mul3A_552 = arith.mulf %mul3A_551, %sub3A_549 : vector<16xf32>
    %add3A_553 = arith.addf %add3A_534, %mul3A_552 : vector<16xf32>
    %mul3A_554 = arith.constant 10 : i32
    %mul3A_555 = vector.broadcast %mul3A_554 : i32 to vector<16xi32>
    %mul3A_556 = arith.muli %min3A_415, %mul3A_555 : vector<16xi32>
    %add3A_557 = arith.constant 7 : i32
    %add3A_558 = vector.broadcast %add3A_557 : i32 to vector<16xi32>
    %add3A_559 = arith.addi %mul3A_556, %add3A_558 : vector<16xi32>
    %gather3A_560 = tpu.vector_load_idx %arg6[%add3A_559] : memref<384xf32, #tpu.memory_space<vmem>>[vector<16xi32>], vector<16xf32>,
    %mul3A_561 = arith.constant 10 : i32
    %mul3A_562 = vector.broadcast %mul3A_561 : i32 to vector<16xi32>
    %mul3A_563 = arith.muli %min3A_418, %mul3A_562 : vector<16xi32>
    %add3A_564 = arith.constant 7 : i32
    %add3A_565 = vector.broadcast %add3A_564 : i32 to vector<16xi32>
    %add3A_566 = arith.addi %mul3A_563, %add3A_565 : vector<16xi32>
    %gather3A_567 = tpu.vector_load_idx %arg6[%add3A_566] : memref<384xf32, #tpu.memory_space<vmem>>[vector<16xi32>], vector<16xf32>,
    %sub3A_568 = arith.subf %gather3A_560, %gather3A_567 : vector<16xf32>
    %mul3A_569 = vector.broadcast %reduce_sum3A_83 : f32 to vector<16xf32>
    %mul3A_570 = arith.mulf %mul3A_569, %sub3A_568 : vector<16xf32>
    %mul3A_571 = arith.mulf %mul3A_570, %sub3A_568 : vector<16xf32>
    %add3A_572 = arith.addf %add3A_553, %mul3A_571 : vector<16xf32>
    %mul3A_573 = arith.constant 10 : i32
    %mul3A_574 = vector.broadcast %mul3A_573 : i32 to vector<16xi32>
    %mul3A_575 = arith.muli %min3A_415, %mul3A_574 : vector<16xi32>
    %add3A_576 = arith.constant 8 : i32
    %add3A_577 = vector.broadcast %add3A_576 : i32 to vector<16xi32>
    %add3A_578 = arith.addi %mul3A_575, %add3A_577 : vector<16xi32>
    %gather3A_579 = tpu.vector_load_idx %arg6[%add3A_578] : memref<384xf32, #tpu.memory_space<vmem>>[vector<16xi32>], vector<16xf32>,
    %mul3A_580 = arith.constant 10 : i32
    %mul3A_581 = vector.broadcast %mul3A_580 : i32 to vector<16xi32>
    %mul3A_582 = arith.muli %min3A_418, %mul3A_581 : vector<16xi32>
    %add3A_583 = arith.constant 8 : i32
    %add3A_584 = vector.broadcast %add3A_583 : i32 to vector<16xi32>
    %add3A_585 = arith.addi %mul3A_582, %add3A_584 : vector<16xi32>
    %gather3A_586 = tpu.vector_load_idx %arg6[%add3A_585] : memref<384xf32, #tpu.memory_space<vmem>>[vector<16xi32>], vector<16xf32>,
    %sub3A_587 = arith.subf %gather3A_579, %gather3A_586 : vector<16xf32>
    %mul3A_588 = vector.broadcast %reduce_sum3A_93 : f32 to vector<16xf32>
    %mul3A_589 = arith.mulf %mul3A_588, %sub3A_587 : vector<16xf32>
    %mul3A_590 = arith.mulf %mul3A_589, %sub3A_587 : vector<16xf32>
    %add3A_591 = arith.addf %add3A_572, %mul3A_590 : vector<16xf32>
    %mul3A_592 = arith.constant 10 : i32
    %mul3A_593 = vector.broadcast %mul3A_592 : i32 to vector<16xi32>
    %mul3A_594 = arith.muli %min3A_415, %mul3A_593 : vector<16xi32>
    %add3A_595 = arith.constant 9 : i32
    %add3A_596 = vector.broadcast %add3A_595 : i32 to vector<16xi32>
    %add3A_597 = arith.addi %mul3A_594, %add3A_596 : vector<16xi32>
    %gather3A_598 = tpu.vector_load_idx %arg6[%add3A_597] : memref<384xf32, #tpu.memory_space<vmem>>[vector<16xi32>], vector<16xf32>,
    %mul3A_599 = arith.constant 10 : i32
    %mul3A_600 = vector.broadcast %mul3A_599 : i32 to vector<16xi32>
    %mul3A_601 = arith.muli %min3A_418, %mul3A_600 : vector<16xi32>
    %add3A_602 = arith.constant 9 : i32
    %add3A_603 = vector.broadcast %add3A_602 : i32 to vector<16xi32>
    %add3A_604 = arith.addi %mul3A_601, %add3A_603 : vector<16xi32>
    %gather3A_605 = tpu.vector_load_idx %arg6[%add3A_604] : memref<384xf32, #tpu.memory_space<vmem>>[vector<16xi32>], vector<16xf32>,
    %sub3A_606 = arith.subf %gather3A_598, %gather3A_605 : vector<16xf32>
    %mul3A_607 = vector.broadcast %reduce_sum3A_103 : f32 to vector<16xf32>
    %mul3A_608 = arith.mulf %mul3A_607, %sub3A_606 : vector<16xf32>
    %mul3A_609 = arith.mulf %mul3A_608, %sub3A_606 : vector<16xf32>
    %add3A_610 = arith.addf %add3A_591, %mul3A_609 : vector<16xf32>
    %bitcast3A_611 = vector.bitcast %add3A_610 : vector<16xf32> to vector<16xi32>
    %shift_right_arithmetic3A_612 = arith.constant 1 : i32
    %shift_right_arithmetic3A_613 = vector.broadcast %shift_right_arithmetic3A_612 : i32 to vector<16xi32>
    %shift_right_arithmetic3A_614 = arith.shrsi %bitcast3A_611, %shift_right_arithmetic3A_613 : vector<16xi32>
    %sub3A_615 = arith.constant 1597463007 : i32
    %sub3A_616 = vector.broadcast %sub3A_615 : i32 to vector<16xi32>
    %sub3A_617 = arith.subi %sub3A_616, %shift_right_arithmetic3A_614 : vector<16xi32>
    %bitcast3A_618 = vector.bitcast %sub3A_617 : vector<16xi32> to vector<16xf32>
    %mul3A_619 = arith.constant 5.000000e-01 : f32
    %mul3A_620 = vector.broadcast %mul3A_619 : f32 to vector<16xf32>
    %mul3A_621 = arith.mulf %mul3A_620, %add3A_610 : vector<16xf32>
    %mul3A_622 = arith.mulf %mul3A_621, %bitcast3A_618 : vector<16xf32>
    %mul3A_623 = arith.mulf %mul3A_622, %bitcast3A_618 : vector<16xf32>
    %sub3A_624 = arith.constant 1.500000e+00 : f32
    %sub3A_625 = vector.broadcast %sub3A_624 : f32 to vector<16xf32>
    %sub3A_626 = arith.subf %sub3A_625, %mul3A_623 : vector<16xf32>
    %mul3A_627 = arith.mulf %bitcast3A_618, %sub3A_626 : vector<16xf32>
    %mul3A_628 = arith.constant 5.000000e-01 : f32
    %mul3A_629 = vector.broadcast %mul3A_628 : f32 to vector<16xf32>
    %mul3A_630 = arith.mulf %mul3A_629, %add3A_610 : vector<16xf32>
    %mul3A_631 = arith.mulf %mul3A_630, %mul3A_627 : vector<16xf32>
    %mul3A_632 = arith.mulf %mul3A_631, %mul3A_627 : vector<16xf32>
    %sub3A_633 = arith.constant 1.500000e+00 : f32
    %sub3A_634 = vector.broadcast %sub3A_633 : f32 to vector<16xf32>
    %sub3A_635 = arith.subf %sub3A_634, %mul3A_632 : vector<16xf32>
    %mul3A_636 = arith.mulf %mul3A_627, %sub3A_635 : vector<16xf32>
    %mul3A_637 = arith.constant 5.000000e-01 : f32
    %mul3A_638 = vector.broadcast %mul3A_637 : f32 to vector<16xf32>
    %mul3A_639 = arith.mulf %mul3A_638, %add3A_610 : vector<16xf32>
    %mul3A_640 = arith.mulf %mul3A_639, %mul3A_636 : vector<16xf32>
    %mul3A_641 = arith.mulf %mul3A_640, %mul3A_636 : vector<16xf32>
    %sub3A_642 = arith.constant 1.500000e+00 : f32
    %sub3A_643 = vector.broadcast %sub3A_642 : f32 to vector<16xf32>
    %sub3A_644 = arith.subf %sub3A_643, %mul3A_641 : vector<16xf32>
    %mul3A_645 = arith.mulf %mul3A_636, %sub3A_644 : vector<16xf32>
    %mul3A_646 = arith.mulf %add3A_610, %mul3A_645 : vector<16xf32>
    %mul3A_647 = arith.constant -3.000000e+00 : f32
    %mul3A_648 = vector.broadcast %mul3A_647 : f32 to vector<16xf32>
    %mul3A_649 = arith.mulf %mul3A_648, %mul3A_646 : vector<16xf32>
    %exp3A_650 = math.exp %mul3A_649 : vector<16xf32>
    %sub3A_651 = arith.subf %reduce_sum3A_123, %reduce_sum3A_113 : f32
    %neg3A_652 = arith.constant 0.000000e+00 : f32
    %neg3A_653 = arith.subf %neg3A_652, %reduce_sum3A_143 : f32
    %sub3A_654 = vector.broadcast %reduce_sum3A_133 : f32 to vector<16xf32>
    %sub3A_655 = arith.subf %exp3A_650, %sub3A_654 : vector<16xf32>
    %mul3A_656 = vector.broadcast %neg3A_653 : f32 to vector<16xf32>
    %mul3A_657 = arith.mulf %mul3A_656, %sub3A_655 : vector<16xf32>
    %exp3A_658 = math.exp %mul3A_657 : vector<16xf32>
    %add3A_659 = arith.constant 1.000000e+00 : f32
    %add3A_660 = vector.broadcast %add3A_659 : f32 to vector<16xf32>
    %add3A_661 = arith.addf %add3A_660, %exp3A_658 : vector<16xf32>
    %div3A_662 = vector.broadcast %sub3A_651 : f32 to vector<16xf32>
    %div3A_663 = arith.divf %div3A_662, %add3A_661 : vector<16xf32>
    %add3A_664 = vector.broadcast %reduce_sum3A_113 : f32 to vector<16xf32>
    %add3A_665 = arith.addf %add3A_664, %div3A_663 : vector<16xf32>
    %swap3A_666 = arith.constant 16 : index
    %swap3A_667 = tpu.vector_load %arg7[%swap3A_666] {strides = array<i32>} : memref<64xf32, #tpu.memory_space<vmem>>, vector<16xf32>,
    tpu.vector_store %arg7[%swap3A_666], %add3A_665 {strides = array<i32>} : memref<64xf32, #tpu.memory_space<vmem>>, vector<16xf32>,
    %mul3A_668 = arith.constant 2 : i32
    %mul3A_669 = arith.muli %arg1, %mul3A_668 : i32
    %add3A_670 = arith.constant 1 : i32
    %add3A_671 = arith.addi %mul3A_669, %add3A_670 : i32
    %add3A_672 = arith.constant 0 : i32
    %add3A_673 = vector.broadcast %add3A_672 : i32 to vector<16xi32>
    %add3A_674 = arith.addi %iota3A, %add3A_673 : vector<16xi32>
    %add3A_675 = vector.broadcast %add3A_671 : i32 to vector<16xi32>
    %add3A_676 = arith.addi %add3A_674, %add3A_675 : vector<16xi32>
    %and3A_677 = arith.constant 31 : i32
    %and3A_678 = vector.broadcast %and3A_677 : i32 to vector<16xi32>
    %and3A_679 = arith.andi %add3A_676, %and3A_678 : vector<16xi32>
    %min3A_680 = arith.constant 30 : i32
    %min3A_681 = vector.broadcast %min3A_680 : i32 to vector<16xi32>
    %min3A_682 = arith.minsi %add3A_674, %min3A_681 : vector<16xi32>
    %min3A_683 = arith.constant 30 : i32
    %min3A_684 = vector.broadcast %min3A_683 : i32 to vector<16xi32>
    %min3A_685 = arith.minsi %and3A_679, %min3A_684 : vector<16xi32>
    %broadcast_in_dim3A_686 = arith.constant 0.000000e+00 : f32
    %broadcast_in_dim3A_687 = vector.broadcast %broadcast_in_dim3A_686 : f32 to vector<16xf32>
    %mul3A_688 = arith.constant 10 : i32
    %mul3A_689 = vector.broadcast %mul3A_688 : i32 to vector<16xi32>
    %mul3A_690 = arith.muli %min3A_682, %mul3A_689 : vector<16xi32>
    %add3A_691 = arith.constant 0 : i32
    %add3A_692 = vector.broadcast %add3A_691 : i32 to vector<16xi32>
    %add3A_693 = arith.addi %mul3A_690, %add3A_692 : vector<16xi32>
    %gather3A_694 = tpu.vector_load_idx %arg6[%add3A_693] : memref<384xf32, #tpu.memory_space<vmem>>[vector<16xi32>], vector<16xf32>,
    %mul3A_695 = arith.constant 10 : i32
    %mul3A_696 = vector.broadcast %mul3A_695 : i32 to vector<16xi32>
    %mul3A_697 = arith.muli %min3A_685, %mul3A_696 : vector<16xi32>
    %add3A_698 = arith.constant 0 : i32
    %add3A_699 = vector.broadcast %add3A_698 : i32 to vector<16xi32>
    %add3A_700 = arith.addi %mul3A_697, %add3A_699 : vector<16xi32>
    %gather3A_701 = tpu.vector_load_idx %arg6[%add3A_700] : memref<384xf32, #tpu.memory_space<vmem>>[vector<16xi32>], vector<16xf32>,
    %sub3A_702 = arith.subf %gather3A_694, %gather3A_701 : vector<16xf32>
    %mul3A_703 = vector.broadcast %reduce_sum3A_13 : f32 to vector<16xf32>
    %mul3A_704 = arith.mulf %mul3A_703, %sub3A_702 : vector<16xf32>
    %mul3A_705 = arith.mulf %mul3A_704, %sub3A_702 : vector<16xf32>
    %add3A_706 = arith.addf %broadcast_in_dim3A_687, %mul3A_705 : vector<16xf32>
    %mul3A_707 = arith.constant 10 : i32
    %mul3A_708 = vector.broadcast %mul3A_707 : i32 to vector<16xi32>
    %mul3A_709 = arith.muli %min3A_682, %mul3A_708 : vector<16xi32>
    %add3A_710 = arith.constant 1 : i32
    %add3A_711 = vector.broadcast %add3A_710 : i32 to vector<16xi32>
    %add3A_712 = arith.addi %mul3A_709, %add3A_711 : vector<16xi32>
    %gather3A_713 = tpu.vector_load_idx %arg6[%add3A_712] : memref<384xf32, #tpu.memory_space<vmem>>[vector<16xi32>], vector<16xf32>,
    %mul3A_714 = arith.constant 10 : i32
    %mul3A_715 = vector.broadcast %mul3A_714 : i32 to vector<16xi32>
    %mul3A_716 = arith.muli %min3A_685, %mul3A_715 : vector<16xi32>
    %add3A_717 = arith.constant 1 : i32
    %add3A_718 = vector.broadcast %add3A_717 : i32 to vector<16xi32>
    %add3A_719 = arith.addi %mul3A_716, %add3A_718 : vector<16xi32>
    %gather3A_720 = tpu.vector_load_idx %arg6[%add3A_719] : memref<384xf32, #tpu.memory_space<vmem>>[vector<16xi32>], vector<16xf32>,
    %sub3A_721 = arith.subf %gather3A_713, %gather3A_720 : vector<16xf32>
    %mul3A_722 = vector.broadcast %reduce_sum3A_23 : f32 to vector<16xf32>
    %mul3A_723 = arith.mulf %mul3A_722, %sub3A_721 : vector<16xf32>
    %mul3A_724 = arith.mulf %mul3A_723, %sub3A_721 : vector<16xf32>
    %add3A_725 = arith.addf %add3A_706, %mul3A_724 : vector<16xf32>
    %mul3A_726 = arith.constant 10 : i32
    %mul3A_727 = vector.broadcast %mul3A_726 : i32 to vector<16xi32>
    %mul3A_728 = arith.muli %min3A_682, %mul3A_727 : vector<16xi32>
    %add3A_729 = arith.constant 2 : i32
    %add3A_730 = vector.broadcast %add3A_729 : i32 to vector<16xi32>
    %add3A_731 = arith.addi %mul3A_728, %add3A_730 : vector<16xi32>
    %gather3A_732 = tpu.vector_load_idx %arg6[%add3A_731] : memref<384xf32, #tpu.memory_space<vmem>>[vector<16xi32>], vector<16xf32>,
    %mul3A_733 = arith.constant 10 : i32
    %mul3A_734 = vector.broadcast %mul3A_733 : i32 to vector<16xi32>
    %mul3A_735 = arith.muli %min3A_685, %mul3A_734 : vector<16xi32>
    %add3A_736 = arith.constant 2 : i32
    %add3A_737 = vector.broadcast %add3A_736 : i32 to vector<16xi32>
    %add3A_738 = arith.addi %mul3A_735, %add3A_737 : vector<16xi32>
    %gather3A_739 = tpu.vector_load_idx %arg6[%add3A_738] : memref<384xf32, #tpu.memory_space<vmem>>[vector<16xi32>], vector<16xf32>,
    %sub3A_740 = arith.subf %gather3A_732, %gather3A_739 : vector<16xf32>
    %mul3A_741 = vector.broadcast %reduce_sum3A_33 : f32 to vector<16xf32>
    %mul3A_742 = arith.mulf %mul3A_741, %sub3A_740 : vector<16xf32>
    %mul3A_743 = arith.mulf %mul3A_742, %sub3A_740 : vector<16xf32>
    %add3A_744 = arith.addf %add3A_725, %mul3A_743 : vector<16xf32>
    %mul3A_745 = arith.constant 10 : i32
    %mul3A_746 = vector.broadcast %mul3A_745 : i32 to vector<16xi32>
    %mul3A_747 = arith.muli %min3A_682, %mul3A_746 : vector<16xi32>
    %add3A_748 = arith.constant 3 : i32
    %add3A_749 = vector.broadcast %add3A_748 : i32 to vector<16xi32>
    %add3A_750 = arith.addi %mul3A_747, %add3A_749 : vector<16xi32>
    %gather3A_751 = tpu.vector_load_idx %arg6[%add3A_750] : memref<384xf32, #tpu.memory_space<vmem>>[vector<16xi32>], vector<16xf32>,
    %mul3A_752 = arith.constant 10 : i32
    %mul3A_753 = vector.broadcast %mul3A_752 : i32 to vector<16xi32>
    %mul3A_754 = arith.muli %min3A_685, %mul3A_753 : vector<16xi32>
    %add3A_755 = arith.constant 3 : i32
    %add3A_756 = vector.broadcast %add3A_755 : i32 to vector<16xi32>
    %add3A_757 = arith.addi %mul3A_754, %add3A_756 : vector<16xi32>
    %gather3A_758 = tpu.vector_load_idx %arg6[%add3A_757] : memref<384xf32, #tpu.memory_space<vmem>>[vector<16xi32>], vector<16xf32>,
    %sub3A_759 = arith.subf %gather3A_751, %gather3A_758 : vector<16xf32>
    %mul3A_760 = vector.broadcast %reduce_sum3A_43 : f32 to vector<16xf32>
    %mul3A_761 = arith.mulf %mul3A_760, %sub3A_759 : vector<16xf32>
    %mul3A_762 = arith.mulf %mul3A_761, %sub3A_759 : vector<16xf32>
    %add3A_763 = arith.addf %add3A_744, %mul3A_762 : vector<16xf32>
    %mul3A_764 = arith.constant 10 : i32
    %mul3A_765 = vector.broadcast %mul3A_764 : i32 to vector<16xi32>
    %mul3A_766 = arith.muli %min3A_682, %mul3A_765 : vector<16xi32>
    %add3A_767 = arith.constant 4 : i32
    %add3A_768 = vector.broadcast %add3A_767 : i32 to vector<16xi32>
    %add3A_769 = arith.addi %mul3A_766, %add3A_768 : vector<16xi32>
    %gather3A_770 = tpu.vector_load_idx %arg6[%add3A_769] : memref<384xf32, #tpu.memory_space<vmem>>[vector<16xi32>], vector<16xf32>,
    %mul3A_771 = arith.constant 10 : i32
    %mul3A_772 = vector.broadcast %mul3A_771 : i32 to vector<16xi32>
    %mul3A_773 = arith.muli %min3A_685, %mul3A_772 : vector<16xi32>
    %add3A_774 = arith.constant 4 : i32
    %add3A_775 = vector.broadcast %add3A_774 : i32 to vector<16xi32>
    %add3A_776 = arith.addi %mul3A_773, %add3A_775 : vector<16xi32>
    %gather3A_777 = tpu.vector_load_idx %arg6[%add3A_776] : memref<384xf32, #tpu.memory_space<vmem>>[vector<16xi32>], vector<16xf32>,
    %sub3A_778 = arith.subf %gather3A_770, %gather3A_777 : vector<16xf32>
    %mul3A_779 = vector.broadcast %reduce_sum3A_53 : f32 to vector<16xf32>
    %mul3A_780 = arith.mulf %mul3A_779, %sub3A_778 : vector<16xf32>
    %mul3A_781 = arith.mulf %mul3A_780, %sub3A_778 : vector<16xf32>
    %add3A_782 = arith.addf %add3A_763, %mul3A_781 : vector<16xf32>
    %mul3A_783 = arith.constant 10 : i32
    %mul3A_784 = vector.broadcast %mul3A_783 : i32 to vector<16xi32>
    %mul3A_785 = arith.muli %min3A_682, %mul3A_784 : vector<16xi32>
    %add3A_786 = arith.constant 5 : i32
    %add3A_787 = vector.broadcast %add3A_786 : i32 to vector<16xi32>
    %add3A_788 = arith.addi %mul3A_785, %add3A_787 : vector<16xi32>
    %gather3A_789 = tpu.vector_load_idx %arg6[%add3A_788] : memref<384xf32, #tpu.memory_space<vmem>>[vector<16xi32>], vector<16xf32>,
    %mul3A_790 = arith.constant 10 : i32
    %mul3A_791 = vector.broadcast %mul3A_790 : i32 to vector<16xi32>
    %mul3A_792 = arith.muli %min3A_685, %mul3A_791 : vector<16xi32>
    %add3A_793 = arith.constant 5 : i32
    %add3A_794 = vector.broadcast %add3A_793 : i32 to vector<16xi32>
    %add3A_795 = arith.addi %mul3A_792, %add3A_794 : vector<16xi32>
    %gather3A_796 = tpu.vector_load_idx %arg6[%add3A_795] : memref<384xf32, #tpu.memory_space<vmem>>[vector<16xi32>], vector<16xf32>,
    %sub3A_797 = arith.subf %gather3A_789, %gather3A_796 : vector<16xf32>
    %mul3A_798 = vector.broadcast %reduce_sum3A_63 : f32 to vector<16xf32>
    %mul3A_799 = arith.mulf %mul3A_798, %sub3A_797 : vector<16xf32>
    %mul3A_800 = arith.mulf %mul3A_799, %sub3A_797 : vector<16xf32>
    %add3A_801 = arith.addf %add3A_782, %mul3A_800 : vector<16xf32>
    %mul3A_802 = arith.constant 10 : i32
    %mul3A_803 = vector.broadcast %mul3A_802 : i32 to vector<16xi32>
    %mul3A_804 = arith.muli %min3A_682, %mul3A_803 : vector<16xi32>
    %add3A_805 = arith.constant 6 : i32
    %add3A_806 = vector.broadcast %add3A_805 : i32 to vector<16xi32>
    %add3A_807 = arith.addi %mul3A_804, %add3A_806 : vector<16xi32>
    %gather3A_808 = tpu.vector_load_idx %arg6[%add3A_807] : memref<384xf32, #tpu.memory_space<vmem>>[vector<16xi32>], vector<16xf32>,
    %mul3A_809 = arith.constant 10 : i32
    %mul3A_810 = vector.broadcast %mul3A_809 : i32 to vector<16xi32>
    %mul3A_811 = arith.muli %min3A_685, %mul3A_810 : vector<16xi32>
    %add3A_812 = arith.constant 6 : i32
    %add3A_813 = vector.broadcast %add3A_812 : i32 to vector<16xi32>
    %add3A_814 = arith.addi %mul3A_811, %add3A_813 : vector<16xi32>
    %gather3A_815 = tpu.vector_load_idx %arg6[%add3A_814] : memref<384xf32, #tpu.memory_space<vmem>>[vector<16xi32>], vector<16xf32>,
    %sub3A_816 = arith.subf %gather3A_808, %gather3A_815 : vector<16xf32>
    %mul3A_817 = vector.broadcast %reduce_sum3A_73 : f32 to vector<16xf32>
    %mul3A_818 = arith.mulf %mul3A_817, %sub3A_816 : vector<16xf32>
    %mul3A_819 = arith.mulf %mul3A_818, %sub3A_816 : vector<16xf32>
    %add3A_820 = arith.addf %add3A_801, %mul3A_819 : vector<16xf32>
    %mul3A_821 = arith.constant 10 : i32
    %mul3A_822 = vector.broadcast %mul3A_821 : i32 to vector<16xi32>
    %mul3A_823 = arith.muli %min3A_682, %mul3A_822 : vector<16xi32>
    %add3A_824 = arith.constant 7 : i32
    %add3A_825 = vector.broadcast %add3A_824 : i32 to vector<16xi32>
    %add3A_826 = arith.addi %mul3A_823, %add3A_825 : vector<16xi32>
    %gather3A_827 = tpu.vector_load_idx %arg6[%add3A_826] : memref<384xf32, #tpu.memory_space<vmem>>[vector<16xi32>], vector<16xf32>,
    %mul3A_828 = arith.constant 10 : i32
    %mul3A_829 = vector.broadcast %mul3A_828 : i32 to vector<16xi32>
    %mul3A_830 = arith.muli %min3A_685, %mul3A_829 : vector<16xi32>
    %add3A_831 = arith.constant 7 : i32
    %add3A_832 = vector.broadcast %add3A_831 : i32 to vector<16xi32>
    %add3A_833 = arith.addi %mul3A_830, %add3A_832 : vector<16xi32>
    %gather3A_834 = tpu.vector_load_idx %arg6[%add3A_833] : memref<384xf32, #tpu.memory_space<vmem>>[vector<16xi32>], vector<16xf32>,
    %sub3A_835 = arith.subf %gather3A_827, %gather3A_834 : vector<16xf32>
    %mul3A_836 = vector.broadcast %reduce_sum3A_83 : f32 to vector<16xf32>
    %mul3A_837 = arith.mulf %mul3A_836, %sub3A_835 : vector<16xf32>
    %mul3A_838 = arith.mulf %mul3A_837, %sub3A_835 : vector<16xf32>
    %add3A_839 = arith.addf %add3A_820, %mul3A_838 : vector<16xf32>
    %mul3A_840 = arith.constant 10 : i32
    %mul3A_841 = vector.broadcast %mul3A_840 : i32 to vector<16xi32>
    %mul3A_842 = arith.muli %min3A_682, %mul3A_841 : vector<16xi32>
    %add3A_843 = arith.constant 8 : i32
    %add3A_844 = vector.broadcast %add3A_843 : i32 to vector<16xi32>
    %add3A_845 = arith.addi %mul3A_842, %add3A_844 : vector<16xi32>
    %gather3A_846 = tpu.vector_load_idx %arg6[%add3A_845] : memref<384xf32, #tpu.memory_space<vmem>>[vector<16xi32>], vector<16xf32>,
    %mul3A_847 = arith.constant 10 : i32
    %mul3A_848 = vector.broadcast %mul3A_847 : i32 to vector<16xi32>
    %mul3A_849 = arith.muli %min3A_685, %mul3A_848 : vector<16xi32>
    %add3A_850 = arith.constant 8 : i32
    %add3A_851 = vector.broadcast %add3A_850 : i32 to vector<16xi32>
    %add3A_852 = arith.addi %mul3A_849, %add3A_851 : vector<16xi32>
    %gather3A_853 = tpu.vector_load_idx %arg6[%add3A_852] : memref<384xf32, #tpu.memory_space<vmem>>[vector<16xi32>], vector<16xf32>,
    %sub3A_854 = arith.subf %gather3A_846, %gather3A_853 : vector<16xf32>
    %mul3A_855 = vector.broadcast %reduce_sum3A_93 : f32 to vector<16xf32>
    %mul3A_856 = arith.mulf %mul3A_855, %sub3A_854 : vector<16xf32>
    %mul3A_857 = arith.mulf %mul3A_856, %sub3A_854 : vector<16xf32>
    %add3A_858 = arith.addf %add3A_839, %mul3A_857 : vector<16xf32>
    %mul3A_859 = arith.constant 10 : i32
    %mul3A_860 = vector.broadcast %mul3A_859 : i32 to vector<16xi32>
    %mul3A_861 = arith.muli %min3A_682, %mul3A_860 : vector<16xi32>
    %add3A_862 = arith.constant 9 : i32
    %add3A_863 = vector.broadcast %add3A_862 : i32 to vector<16xi32>
    %add3A_864 = arith.addi %mul3A_861, %add3A_863 : vector<16xi32>
    %gather3A_865 = tpu.vector_load_idx %arg6[%add3A_864] : memref<384xf32, #tpu.memory_space<vmem>>[vector<16xi32>], vector<16xf32>,
    %mul3A_866 = arith.constant 10 : i32
    %mul3A_867 = vector.broadcast %mul3A_866 : i32 to vector<16xi32>
    %mul3A_868 = arith.muli %min3A_685, %mul3A_867 : vector<16xi32>
    %add3A_869 = arith.constant 9 : i32
    %add3A_870 = vector.broadcast %add3A_869 : i32 to vector<16xi32>
    %add3A_871 = arith.addi %mul3A_868, %add3A_870 : vector<16xi32>
    %gather3A_872 = tpu.vector_load_idx %arg6[%add3A_871] : memref<384xf32, #tpu.memory_space<vmem>>[vector<16xi32>], vector<16xf32>,
    %sub3A_873 = arith.subf %gather3A_865, %gather3A_872 : vector<16xf32>
    %mul3A_874 = vector.broadcast %reduce_sum3A_103 : f32 to vector<16xf32>
    %mul3A_875 = arith.mulf %mul3A_874, %sub3A_873 : vector<16xf32>
    %mul3A_876 = arith.mulf %mul3A_875, %sub3A_873 : vector<16xf32>
    %add3A_877 = arith.addf %add3A_858, %mul3A_876 : vector<16xf32>
    %bitcast3A_878 = vector.bitcast %add3A_877 : vector<16xf32> to vector<16xi32>
    %shift_right_arithmetic3A_879 = arith.constant 1 : i32
    %shift_right_arithmetic3A_880 = vector.broadcast %shift_right_arithmetic3A_879 : i32 to vector<16xi32>
    %shift_right_arithmetic3A_881 = arith.shrsi %bitcast3A_878, %shift_right_arithmetic3A_880 : vector<16xi32>
    %sub3A_882 = arith.constant 1597463007 : i32
    %sub3A_883 = vector.broadcast %sub3A_882 : i32 to vector<16xi32>
    %sub3A_884 = arith.subi %sub3A_883, %shift_right_arithmetic3A_881 : vector<16xi32>
    %bitcast3A_885 = vector.bitcast %sub3A_884 : vector<16xi32> to vector<16xf32>
    %mul3A_886 = arith.constant 5.000000e-01 : f32
    %mul3A_887 = vector.broadcast %mul3A_886 : f32 to vector<16xf32>
    %mul3A_888 = arith.mulf %mul3A_887, %add3A_877 : vector<16xf32>
    %mul3A_889 = arith.mulf %mul3A_888, %bitcast3A_885 : vector<16xf32>
    %mul3A_890 = arith.mulf %mul3A_889, %bitcast3A_885 : vector<16xf32>
    %sub3A_891 = arith.constant 1.500000e+00 : f32
    %sub3A_892 = vector.broadcast %sub3A_891 : f32 to vector<16xf32>
    %sub3A_893 = arith.subf %sub3A_892, %mul3A_890 : vector<16xf32>
    %mul3A_894 = arith.mulf %bitcast3A_885, %sub3A_893 : vector<16xf32>
    %mul3A_895 = arith.constant 5.000000e-01 : f32
    %mul3A_896 = vector.broadcast %mul3A_895 : f32 to vector<16xf32>
    %mul3A_897 = arith.mulf %mul3A_896, %add3A_877 : vector<16xf32>
    %mul3A_898 = arith.mulf %mul3A_897, %mul3A_894 : vector<16xf32>
    %mul3A_899 = arith.mulf %mul3A_898, %mul3A_894 : vector<16xf32>
    %sub3A_900 = arith.constant 1.500000e+00 : f32
    %sub3A_901 = vector.broadcast %sub3A_900 : f32 to vector<16xf32>
    %sub3A_902 = arith.subf %sub3A_901, %mul3A_899 : vector<16xf32>
    %mul3A_903 = arith.mulf %mul3A_894, %sub3A_902 : vector<16xf32>
    %mul3A_904 = arith.constant 5.000000e-01 : f32
    %mul3A_905 = vector.broadcast %mul3A_904 : f32 to vector<16xf32>
    %mul3A_906 = arith.mulf %mul3A_905, %add3A_877 : vector<16xf32>
    %mul3A_907 = arith.mulf %mul3A_906, %mul3A_903 : vector<16xf32>
    %mul3A_908 = arith.mulf %mul3A_907, %mul3A_903 : vector<16xf32>
    %sub3A_909 = arith.constant 1.500000e+00 : f32
    %sub3A_910 = vector.broadcast %sub3A_909 : f32 to vector<16xf32>
    %sub3A_911 = arith.subf %sub3A_910, %mul3A_908 : vector<16xf32>
    %mul3A_912 = arith.mulf %mul3A_903, %sub3A_911 : vector<16xf32>
    %mul3A_913 = arith.mulf %add3A_877, %mul3A_912 : vector<16xf32>
    %mul3A_914 = arith.constant -3.000000e+00 : f32
    %mul3A_915 = vector.broadcast %mul3A_914 : f32 to vector<16xf32>
    %mul3A_916 = arith.mulf %mul3A_915, %mul3A_913 : vector<16xf32>
    %exp3A_917 = math.exp %mul3A_916 : vector<16xf32>
    %sub3A_918 = arith.subf %reduce_sum3A_123, %reduce_sum3A_113 : f32
    %neg3A_919 = arith.constant 0.000000e+00 : f32
    %neg3A_920 = arith.subf %neg3A_919, %reduce_sum3A_143 : f32
    %sub3A_921 = vector.broadcast %reduce_sum3A_133 : f32 to vector<16xf32>
    %sub3A_922 = arith.subf %exp3A_917, %sub3A_921 : vector<16xf32>
    %mul3A_923 = vector.broadcast %neg3A_920 : f32 to vector<16xf32>
    %mul3A_924 = arith.mulf %mul3A_923, %sub3A_922 : vector<16xf32>
    %exp3A_925 = math.exp %mul3A_924 : vector<16xf32>
    %add3A_926 = arith.constant 1.000000e+00 : f32
    %add3A_927 = vector.broadcast %add3A_926 : f32 to vector<16xf32>
    %add3A_928 = arith.addf %add3A_927, %exp3A_925 : vector<16xf32>
    %div3A_929 = vector.broadcast %sub3A_918 : f32 to vector<16xf32>
    %div3A_930 = arith.divf %div3A_929, %add3A_928 : vector<16xf32>
    %add3A_931 = vector.broadcast %reduce_sum3A_113 : f32 to vector<16xf32>
    %add3A_932 = arith.addf %add3A_931, %div3A_930 : vector<16xf32>
    %swap3A_933 = arith.constant 32 : index
    %swap3A_934 = tpu.vector_load %arg7[%swap3A_933] {strides = array<i32>} : memref<64xf32, #tpu.memory_space<vmem>>, vector<16xf32>,
    tpu.vector_store %arg7[%swap3A_933], %add3A_932 {strides = array<i32>} : memref<64xf32, #tpu.memory_space<vmem>>, vector<16xf32>,
    %mul3A_935 = arith.constant 2 : i32
    %mul3A_936 = arith.muli %arg1, %mul3A_935 : i32
    %add3A_937 = arith.constant 1 : i32
    %add3A_938 = arith.addi %mul3A_936, %add3A_937 : i32
    %add3A_939 = arith.constant 16 : i32
    %add3A_940 = vector.broadcast %add3A_939 : i32 to vector<16xi32>
    %add3A_941 = arith.addi %iota3A, %add3A_940 : vector<16xi32>
    %add3A_942 = vector.broadcast %add3A_938 : i32 to vector<16xi32>
    %add3A_943 = arith.addi %add3A_941, %add3A_942 : vector<16xi32>
    %and3A_944 = arith.constant 31 : i32
    %and3A_945 = vector.broadcast %and3A_944 : i32 to vector<16xi32>
    %and3A_946 = arith.andi %add3A_943, %and3A_945 : vector<16xi32>
    %min3A_947 = arith.constant 30 : i32
    %min3A_948 = vector.broadcast %min3A_947 : i32 to vector<16xi32>
    %min3A_949 = arith.minsi %add3A_941, %min3A_948 : vector<16xi32>
    %min3A_950 = arith.constant 30 : i32
    %min3A_951 = vector.broadcast %min3A_950 : i32 to vector<16xi32>
    %min3A_952 = arith.minsi %and3A_946, %min3A_951 : vector<16xi32>
    %broadcast_in_dim3A_953 = arith.constant 0.000000e+00 : f32
    %broadcast_in_dim3A_954 = vector.broadcast %broadcast_in_dim3A_953 : f32 to vector<16xf32>
    %mul3A_955 = arith.constant 10 : i32
    %mul3A_956 = vector.broadcast %mul3A_955 : i32 to vector<16xi32>
    %mul3A_957 = arith.muli %min3A_949, %mul3A_956 : vector<16xi32>
    %add3A_958 = arith.constant 0 : i32
    %add3A_959 = vector.broadcast %add3A_958 : i32 to vector<16xi32>
    %add3A_960 = arith.addi %mul3A_957, %add3A_959 : vector<16xi32>
    %gather3A_961 = tpu.vector_load_idx %arg6[%add3A_960] : memref<384xf32, #tpu.memory_space<vmem>>[vector<16xi32>], vector<16xf32>,
    %mul3A_962 = arith.constant 10 : i32
    %mul3A_963 = vector.broadcast %mul3A_962 : i32 to vector<16xi32>
    %mul3A_964 = arith.muli %min3A_952, %mul3A_963 : vector<16xi32>
    %add3A_965 = arith.constant 0 : i32
    %add3A_966 = vector.broadcast %add3A_965 : i32 to vector<16xi32>
    %add3A_967 = arith.addi %mul3A_964, %add3A_966 : vector<16xi32>
    %gather3A_968 = tpu.vector_load_idx %arg6[%add3A_967] : memref<384xf32, #tpu.memory_space<vmem>>[vector<16xi32>], vector<16xf32>,
    %sub3A_969 = arith.subf %gather3A_961, %gather3A_968 : vector<16xf32>
    %mul3A_970 = vector.broadcast %reduce_sum3A_13 : f32 to vector<16xf32>
    %mul3A_971 = arith.mulf %mul3A_970, %sub3A_969 : vector<16xf32>
    %mul3A_972 = arith.mulf %mul3A_971, %sub3A_969 : vector<16xf32>
    %add3A_973 = arith.addf %broadcast_in_dim3A_954, %mul3A_972 : vector<16xf32>
    %mul3A_974 = arith.constant 10 : i32
    %mul3A_975 = vector.broadcast %mul3A_974 : i32 to vector<16xi32>
    %mul3A_976 = arith.muli %min3A_949, %mul3A_975 : vector<16xi32>
    %add3A_977 = arith.constant 1 : i32
    %add3A_978 = vector.broadcast %add3A_977 : i32 to vector<16xi32>
    %add3A_979 = arith.addi %mul3A_976, %add3A_978 : vector<16xi32>
    %gather3A_980 = tpu.vector_load_idx %arg6[%add3A_979] : memref<384xf32, #tpu.memory_space<vmem>>[vector<16xi32>], vector<16xf32>,
    %mul3A_981 = arith.constant 10 : i32
    %mul3A_982 = vector.broadcast %mul3A_981 : i32 to vector<16xi32>
    %mul3A_983 = arith.muli %min3A_952, %mul3A_982 : vector<16xi32>
    %add3A_984 = arith.constant 1 : i32
    %add3A_985 = vector.broadcast %add3A_984 : i32 to vector<16xi32>
    %add3A_986 = arith.addi %mul3A_983, %add3A_985 : vector<16xi32>
    %gather3A_987 = tpu.vector_load_idx %arg6[%add3A_986] : memref<384xf32, #tpu.memory_space<vmem>>[vector<16xi32>], vector<16xf32>,
    %sub3A_988 = arith.subf %gather3A_980, %gather3A_987 : vector<16xf32>
    %mul3A_989 = vector.broadcast %reduce_sum3A_23 : f32 to vector<16xf32>
    %mul3A_990 = arith.mulf %mul3A_989, %sub3A_988 : vector<16xf32>
    %mul3A_991 = arith.mulf %mul3A_990, %sub3A_988 : vector<16xf32>
    %add3A_992 = arith.addf %add3A_973, %mul3A_991 : vector<16xf32>
    %mul3A_993 = arith.constant 10 : i32
    %mul3A_994 = vector.broadcast %mul3A_993 : i32 to vector<16xi32>
    %mul3A_995 = arith.muli %min3A_949, %mul3A_994 : vector<16xi32>
    %add3A_996 = arith.constant 2 : i32
    %add3A_997 = vector.broadcast %add3A_996 : i32 to vector<16xi32>
    %add3A_998 = arith.addi %mul3A_995, %add3A_997 : vector<16xi32>
    %gather3A_999 = tpu.vector_load_idx %arg6[%add3A_998] : memref<384xf32, #tpu.memory_space<vmem>>[vector<16xi32>], vector<16xf32>,
    %mul3A_1000 = arith.constant 10 : i32
    %mul3A_1001 = vector.broadcast %mul3A_1000 : i32 to vector<16xi32>
    %mul3A_1002 = arith.muli %min3A_952, %mul3A_1001 : vector<16xi32>
    %add3A_1003 = arith.constant 2 : i32
    %add3A_1004 = vector.broadcast %add3A_1003 : i32 to vector<16xi32>
    %add3A_1005 = arith.addi %mul3A_1002, %add3A_1004 : vector<16xi32>
    %gather3A_1006 = tpu.vector_load_idx %arg6[%add3A_1005] : memref<384xf32, #tpu.memory_space<vmem>>[vector<16xi32>], vector<16xf32>,
    %sub3A_1007 = arith.subf %gather3A_999, %gather3A_1006 : vector<16xf32>
    %mul3A_1008 = vector.broadcast %reduce_sum3A_33 : f32 to vector<16xf32>
    %mul3A_1009 = arith.mulf %mul3A_1008, %sub3A_1007 : vector<16xf32>
    %mul3A_1010 = arith.mulf %mul3A_1009, %sub3A_1007 : vector<16xf32>
    %add3A_1011 = arith.addf %add3A_992, %mul3A_1010 : vector<16xf32>
    %mul3A_1012 = arith.constant 10 : i32
    %mul3A_1013 = vector.broadcast %mul3A_1012 : i32 to vector<16xi32>
    %mul3A_1014 = arith.muli %min3A_949, %mul3A_1013 : vector<16xi32>
    %add3A_1015 = arith.constant 3 : i32
    %add3A_1016 = vector.broadcast %add3A_1015 : i32 to vector<16xi32>
    %add3A_1017 = arith.addi %mul3A_1014, %add3A_1016 : vector<16xi32>
    %gather3A_1018 = tpu.vector_load_idx %arg6[%add3A_1017] : memref<384xf32, #tpu.memory_space<vmem>>[vector<16xi32>], vector<16xf32>,
    %mul3A_1019 = arith.constant 10 : i32
    %mul3A_1020 = vector.broadcast %mul3A_1019 : i32 to vector<16xi32>
    %mul3A_1021 = arith.muli %min3A_952, %mul3A_1020 : vector<16xi32>
    %add3A_1022 = arith.constant 3 : i32
    %add3A_1023 = vector.broadcast %add3A_1022 : i32 to vector<16xi32>
    %add3A_1024 = arith.addi %mul3A_1021, %add3A_1023 : vector<16xi32>
    %gather3A_1025 = tpu.vector_load_idx %arg6[%add3A_1024] : memref<384xf32, #tpu.memory_space<vmem>>[vector<16xi32>], vector<16xf32>,
    %sub3A_1026 = arith.subf %gather3A_1018, %gather3A_1025 : vector<16xf32>
    %mul3A_1027 = vector.broadcast %reduce_sum3A_43 : f32 to vector<16xf32>
    %mul3A_1028 = arith.mulf %mul3A_1027, %sub3A_1026 : vector<16xf32>
    %mul3A_1029 = arith.mulf %mul3A_1028, %sub3A_1026 : vector<16xf32>
    %add3A_1030 = arith.addf %add3A_1011, %mul3A_1029 : vector<16xf32>
    %mul3A_1031 = arith.constant 10 : i32
    %mul3A_1032 = vector.broadcast %mul3A_1031 : i32 to vector<16xi32>
    %mul3A_1033 = arith.muli %min3A_949, %mul3A_1032 : vector<16xi32>
    %add3A_1034 = arith.constant 4 : i32
    %add3A_1035 = vector.broadcast %add3A_1034 : i32 to vector<16xi32>
    %add3A_1036 = arith.addi %mul3A_1033, %add3A_1035 : vector<16xi32>
    %gather3A_1037 = tpu.vector_load_idx %arg6[%add3A_1036] : memref<384xf32, #tpu.memory_space<vmem>>[vector<16xi32>], vector<16xf32>,
    %mul3A_1038 = arith.constant 10 : i32
    %mul3A_1039 = vector.broadcast %mul3A_1038 : i32 to vector<16xi32>
    %mul3A_1040 = arith.muli %min3A_952, %mul3A_1039 : vector<16xi32>
    %add3A_1041 = arith.constant 4 : i32
    %add3A_1042 = vector.broadcast %add3A_1041 : i32 to vector<16xi32>
    %add3A_1043 = arith.addi %mul3A_1040, %add3A_1042 : vector<16xi32>
    %gather3A_1044 = tpu.vector_load_idx %arg6[%add3A_1043] : memref<384xf32, #tpu.memory_space<vmem>>[vector<16xi32>], vector<16xf32>,
    %sub3A_1045 = arith.subf %gather3A_1037, %gather3A_1044 : vector<16xf32>
    %mul3A_1046 = vector.broadcast %reduce_sum3A_53 : f32 to vector<16xf32>
    %mul3A_1047 = arith.mulf %mul3A_1046, %sub3A_1045 : vector<16xf32>
    %mul3A_1048 = arith.mulf %mul3A_1047, %sub3A_1045 : vector<16xf32>
    %add3A_1049 = arith.addf %add3A_1030, %mul3A_1048 : vector<16xf32>
    %mul3A_1050 = arith.constant 10 : i32
    %mul3A_1051 = vector.broadcast %mul3A_1050 : i32 to vector<16xi32>
    %mul3A_1052 = arith.muli %min3A_949, %mul3A_1051 : vector<16xi32>
    %add3A_1053 = arith.constant 5 : i32
    %add3A_1054 = vector.broadcast %add3A_1053 : i32 to vector<16xi32>
    %add3A_1055 = arith.addi %mul3A_1052, %add3A_1054 : vector<16xi32>
    %gather3A_1056 = tpu.vector_load_idx %arg6[%add3A_1055] : memref<384xf32, #tpu.memory_space<vmem>>[vector<16xi32>], vector<16xf32>,
    %mul3A_1057 = arith.constant 10 : i32
    %mul3A_1058 = vector.broadcast %mul3A_1057 : i32 to vector<16xi32>
    %mul3A_1059 = arith.muli %min3A_952, %mul3A_1058 : vector<16xi32>
    %add3A_1060 = arith.constant 5 : i32
    %add3A_1061 = vector.broadcast %add3A_1060 : i32 to vector<16xi32>
    %add3A_1062 = arith.addi %mul3A_1059, %add3A_1061 : vector<16xi32>
    %gather3A_1063 = tpu.vector_load_idx %arg6[%add3A_1062] : memref<384xf32, #tpu.memory_space<vmem>>[vector<16xi32>], vector<16xf32>,
    %sub3A_1064 = arith.subf %gather3A_1056, %gather3A_1063 : vector<16xf32>
    %mul3A_1065 = vector.broadcast %reduce_sum3A_63 : f32 to vector<16xf32>
    %mul3A_1066 = arith.mulf %mul3A_1065, %sub3A_1064 : vector<16xf32>
    %mul3A_1067 = arith.mulf %mul3A_1066, %sub3A_1064 : vector<16xf32>
    %add3A_1068 = arith.addf %add3A_1049, %mul3A_1067 : vector<16xf32>
    %mul3A_1069 = arith.constant 10 : i32
    %mul3A_1070 = vector.broadcast %mul3A_1069 : i32 to vector<16xi32>
    %mul3A_1071 = arith.muli %min3A_949, %mul3A_1070 : vector<16xi32>
    %add3A_1072 = arith.constant 6 : i32
    %add3A_1073 = vector.broadcast %add3A_1072 : i32 to vector<16xi32>
    %add3A_1074 = arith.addi %mul3A_1071, %add3A_1073 : vector<16xi32>
    %gather3A_1075 = tpu.vector_load_idx %arg6[%add3A_1074] : memref<384xf32, #tpu.memory_space<vmem>>[vector<16xi32>], vector<16xf32>,
    %mul3A_1076 = arith.constant 10 : i32
    %mul3A_1077 = vector.broadcast %mul3A_1076 : i32 to vector<16xi32>
    %mul3A_1078 = arith.muli %min3A_952, %mul3A_1077 : vector<16xi32>
    %add3A_1079 = arith.constant 6 : i32
    %add3A_1080 = vector.broadcast %add3A_1079 : i32 to vector<16xi32>
    %add3A_1081 = arith.addi %mul3A_1078, %add3A_1080 : vector<16xi32>
    %gather3A_1082 = tpu.vector_load_idx %arg6[%add3A_1081] : memref<384xf32, #tpu.memory_space<vmem>>[vector<16xi32>], vector<16xf32>,
    %sub3A_1083 = arith.subf %gather3A_1075, %gather3A_1082 : vector<16xf32>
    %mul3A_1084 = vector.broadcast %reduce_sum3A_73 : f32 to vector<16xf32>
    %mul3A_1085 = arith.mulf %mul3A_1084, %sub3A_1083 : vector<16xf32>
    %mul3A_1086 = arith.mulf %mul3A_1085, %sub3A_1083 : vector<16xf32>
    %add3A_1087 = arith.addf %add3A_1068, %mul3A_1086 : vector<16xf32>
    %mul3A_1088 = arith.constant 10 : i32
    %mul3A_1089 = vector.broadcast %mul3A_1088 : i32 to vector<16xi32>
    %mul3A_1090 = arith.muli %min3A_949, %mul3A_1089 : vector<16xi32>
    %add3A_1091 = arith.constant 7 : i32
    %add3A_1092 = vector.broadcast %add3A_1091 : i32 to vector<16xi32>
    %add3A_1093 = arith.addi %mul3A_1090, %add3A_1092 : vector<16xi32>
    %gather3A_1094 = tpu.vector_load_idx %arg6[%add3A_1093] : memref<384xf32, #tpu.memory_space<vmem>>[vector<16xi32>], vector<16xf32>,
    %mul3A_1095 = arith.constant 10 : i32
    %mul3A_1096 = vector.broadcast %mul3A_1095 : i32 to vector<16xi32>
    %mul3A_1097 = arith.muli %min3A_952, %mul3A_1096 : vector<16xi32>
    %add3A_1098 = arith.constant 7 : i32
    %add3A_1099 = vector.broadcast %add3A_1098 : i32 to vector<16xi32>
    %add3A_1100 = arith.addi %mul3A_1097, %add3A_1099 : vector<16xi32>
    %gather3A_1101 = tpu.vector_load_idx %arg6[%add3A_1100] : memref<384xf32, #tpu.memory_space<vmem>>[vector<16xi32>], vector<16xf32>,
    %sub3A_1102 = arith.subf %gather3A_1094, %gather3A_1101 : vector<16xf32>
    %mul3A_1103 = vector.broadcast %reduce_sum3A_83 : f32 to vector<16xf32>
    %mul3A_1104 = arith.mulf %mul3A_1103, %sub3A_1102 : vector<16xf32>
    %mul3A_1105 = arith.mulf %mul3A_1104, %sub3A_1102 : vector<16xf32>
    %add3A_1106 = arith.addf %add3A_1087, %mul3A_1105 : vector<16xf32>
    %mul3A_1107 = arith.constant 10 : i32
    %mul3A_1108 = vector.broadcast %mul3A_1107 : i32 to vector<16xi32>
    %mul3A_1109 = arith.muli %min3A_949, %mul3A_1108 : vector<16xi32>
    %add3A_1110 = arith.constant 8 : i32
    %add3A_1111 = vector.broadcast %add3A_1110 : i32 to vector<16xi32>
    %add3A_1112 = arith.addi %mul3A_1109, %add3A_1111 : vector<16xi32>
    %gather3A_1113 = tpu.vector_load_idx %arg6[%add3A_1112] : memref<384xf32, #tpu.memory_space<vmem>>[vector<16xi32>], vector<16xf32>,
    %mul3A_1114 = arith.constant 10 : i32
    %mul3A_1115 = vector.broadcast %mul3A_1114 : i32 to vector<16xi32>
    %mul3A_1116 = arith.muli %min3A_952, %mul3A_1115 : vector<16xi32>
    %add3A_1117 = arith.constant 8 : i32
    %add3A_1118 = vector.broadcast %add3A_1117 : i32 to vector<16xi32>
    %add3A_1119 = arith.addi %mul3A_1116, %add3A_1118 : vector<16xi32>
    %gather3A_1120 = tpu.vector_load_idx %arg6[%add3A_1119] : memref<384xf32, #tpu.memory_space<vmem>>[vector<16xi32>], vector<16xf32>,
    %sub3A_1121 = arith.subf %gather3A_1113, %gather3A_1120 : vector<16xf32>
    %mul3A_1122 = vector.broadcast %reduce_sum3A_93 : f32 to vector<16xf32>
    %mul3A_1123 = arith.mulf %mul3A_1122, %sub3A_1121 : vector<16xf32>
    %mul3A_1124 = arith.mulf %mul3A_1123, %sub3A_1121 : vector<16xf32>
    %add3A_1125 = arith.addf %add3A_1106, %mul3A_1124 : vector<16xf32>
    %mul3A_1126 = arith.constant 10 : i32
    %mul3A_1127 = vector.broadcast %mul3A_1126 : i32 to vector<16xi32>
    %mul3A_1128 = arith.muli %min3A_949, %mul3A_1127 : vector<16xi32>
    %add3A_1129 = arith.constant 9 : i32
    %add3A_1130 = vector.broadcast %add3A_1129 : i32 to vector<16xi32>
    %add3A_1131 = arith.addi %mul3A_1128, %add3A_1130 : vector<16xi32>
    %gather3A_1132 = tpu.vector_load_idx %arg6[%add3A_1131] : memref<384xf32, #tpu.memory_space<vmem>>[vector<16xi32>], vector<16xf32>,
    %mul3A_1133 = arith.constant 10 : i32
    %mul3A_1134 = vector.broadcast %mul3A_1133 : i32 to vector<16xi32>
    %mul3A_1135 = arith.muli %min3A_952, %mul3A_1134 : vector<16xi32>
    %add3A_1136 = arith.constant 9 : i32
    %add3A_1137 = vector.broadcast %add3A_1136 : i32 to vector<16xi32>
    %add3A_1138 = arith.addi %mul3A_1135, %add3A_1137 : vector<16xi32>
    %gather3A_1139 = tpu.vector_load_idx %arg6[%add3A_1138] : memref<384xf32, #tpu.memory_space<vmem>>[vector<16xi32>], vector<16xf32>,
    %sub3A_1140 = arith.subf %gather3A_1132, %gather3A_1139 : vector<16xf32>
    %mul3A_1141 = vector.broadcast %reduce_sum3A_103 : f32 to vector<16xf32>
    %mul3A_1142 = arith.mulf %mul3A_1141, %sub3A_1140 : vector<16xf32>
    %mul3A_1143 = arith.mulf %mul3A_1142, %sub3A_1140 : vector<16xf32>
    %add3A_1144 = arith.addf %add3A_1125, %mul3A_1143 : vector<16xf32>
    %bitcast3A_1145 = vector.bitcast %add3A_1144 : vector<16xf32> to vector<16xi32>
    %shift_right_arithmetic3A_1146 = arith.constant 1 : i32
    %shift_right_arithmetic3A_1147 = vector.broadcast %shift_right_arithmetic3A_1146 : i32 to vector<16xi32>
    %shift_right_arithmetic3A_1148 = arith.shrsi %bitcast3A_1145, %shift_right_arithmetic3A_1147 : vector<16xi32>
    %sub3A_1149 = arith.constant 1597463007 : i32
    %sub3A_1150 = vector.broadcast %sub3A_1149 : i32 to vector<16xi32>
    %sub3A_1151 = arith.subi %sub3A_1150, %shift_right_arithmetic3A_1148 : vector<16xi32>
    %bitcast3A_1152 = vector.bitcast %sub3A_1151 : vector<16xi32> to vector<16xf32>
    %mul3A_1153 = arith.constant 5.000000e-01 : f32
    %mul3A_1154 = vector.broadcast %mul3A_1153 : f32 to vector<16xf32>
    %mul3A_1155 = arith.mulf %mul3A_1154, %add3A_1144 : vector<16xf32>
    %mul3A_1156 = arith.mulf %mul3A_1155, %bitcast3A_1152 : vector<16xf32>
    %mul3A_1157 = arith.mulf %mul3A_1156, %bitcast3A_1152 : vector<16xf32>
    %sub3A_1158 = arith.constant 1.500000e+00 : f32
    %sub3A_1159 = vector.broadcast %sub3A_1158 : f32 to vector<16xf32>
    %sub3A_1160 = arith.subf %sub3A_1159, %mul3A_1157 : vector<16xf32>
    %mul3A_1161 = arith.mulf %bitcast3A_1152, %sub3A_1160 : vector<16xf32>
    %mul3A_1162 = arith.constant 5.000000e-01 : f32
    %mul3A_1163 = vector.broadcast %mul3A_1162 : f32 to vector<16xf32>
    %mul3A_1164 = arith.mulf %mul3A_1163, %add3A_1144 : vector<16xf32>
    %mul3A_1165 = arith.mulf %mul3A_1164, %mul3A_1161 : vector<16xf32>
    %mul3A_1166 = arith.mulf %mul3A_1165, %mul3A_1161 : vector<16xf32>
    %sub3A_1167 = arith.constant 1.500000e+00 : f32
    %sub3A_1168 = vector.broadcast %sub3A_1167 : f32 to vector<16xf32>
    %sub3A_1169 = arith.subf %sub3A_1168, %mul3A_1166 : vector<16xf32>
    %mul3A_1170 = arith.mulf %mul3A_1161, %sub3A_1169 : vector<16xf32>
    %mul3A_1171 = arith.constant 5.000000e-01 : f32
    %mul3A_1172 = vector.broadcast %mul3A_1171 : f32 to vector<16xf32>
    %mul3A_1173 = arith.mulf %mul3A_1172, %add3A_1144 : vector<16xf32>
    %mul3A_1174 = arith.mulf %mul3A_1173, %mul3A_1170 : vector<16xf32>
    %mul3A_1175 = arith.mulf %mul3A_1174, %mul3A_1170 : vector<16xf32>
    %sub3A_1176 = arith.constant 1.500000e+00 : f32
    %sub3A_1177 = vector.broadcast %sub3A_1176 : f32 to vector<16xf32>
    %sub3A_1178 = arith.subf %sub3A_1177, %mul3A_1175 : vector<16xf32>
    %mul3A_1179 = arith.mulf %mul3A_1170, %sub3A_1178 : vector<16xf32>
    %mul3A_1180 = arith.mulf %add3A_1144, %mul3A_1179 : vector<16xf32>
    %mul3A_1181 = arith.constant -3.000000e+00 : f32
    %mul3A_1182 = vector.broadcast %mul3A_1181 : f32 to vector<16xf32>
    %mul3A_1183 = arith.mulf %mul3A_1182, %mul3A_1180 : vector<16xf32>
    %exp3A_1184 = math.exp %mul3A_1183 : vector<16xf32>
    %sub3A_1185 = arith.subf %reduce_sum3A_123, %reduce_sum3A_113 : f32
    %neg3A_1186 = arith.constant 0.000000e+00 : f32
    %neg3A_1187 = arith.subf %neg3A_1186, %reduce_sum3A_143 : f32
    %sub3A_1188 = vector.broadcast %reduce_sum3A_133 : f32 to vector<16xf32>
    %sub3A_1189 = arith.subf %exp3A_1184, %sub3A_1188 : vector<16xf32>
    %mul3A_1190 = vector.broadcast %neg3A_1187 : f32 to vector<16xf32>
    %mul3A_1191 = arith.mulf %mul3A_1190, %sub3A_1189 : vector<16xf32>
    %exp3A_1192 = math.exp %mul3A_1191 : vector<16xf32>
    %add3A_1193 = arith.constant 1.000000e+00 : f32
    %add3A_1194 = vector.broadcast %add3A_1193 : f32 to vector<16xf32>
    %add3A_1195 = arith.addf %add3A_1194, %exp3A_1192 : vector<16xf32>
    %div3A_1196 = vector.broadcast %sub3A_1185 : f32 to vector<16xf32>
    %div3A_1197 = arith.divf %div3A_1196, %add3A_1195 : vector<16xf32>
    %add3A_1198 = vector.broadcast %reduce_sum3A_113 : f32 to vector<16xf32>
    %add3A_1199 = arith.addf %add3A_1198, %div3A_1197 : vector<16xf32>
    %swap3A_1200 = arith.constant 48 : index
    %swap3A_1201 = tpu.vector_load %arg7[%swap3A_1200] {strides = array<i32>} : memref<64xf32, #tpu.memory_space<vmem>>, vector<16xf32>,
    tpu.vector_store %arg7[%swap3A_1200], %add3A_1199 {strides = array<i32>} : memref<64xf32, #tpu.memory_space<vmem>>, vector<16xf32>,
    %mul3A_1202 = arith.constant 64 : i32
    %mul3A_1203 = arith.muli %arg1, %mul3A_1202 : i32
    "tpu.region"() ({
      %run_scoped3A = tpu.sem_alloc : memref<!tpu.dma_semaphore, #tpu.memory_space<semaphore_mem>>
      %dma_start3A_1288 = tpu.memref_slice %arg10[%mul3A_1203] : memref<1024xf32, #tpu.memory_space<vmem_shared>> -> memref<64xf32, #tpu.memory_space<vmem_shared>>
      %dma_start3A_1289 = tpu.memref_slice %arg10[%mul3A_1203] : memref<1024xf32, #tpu.memory_space<vmem_shared>> -> memref<64xf32, #tpu.memory_space<vmem_shared>>
      tpu.enqueue_dma source(%arg7 : memref<64xf32, #tpu.memory_space<vmem>>) target(%dma_start3A_1289 : memref<64xf32, #tpu.memory_space<vmem_shared>>) target_semaphore(%run_scoped3A : memref<!tpu.dma_semaphore, #tpu.memory_space<semaphore_mem>>)
      %dma_wait3A_1290 = tpu.memref_slice %arg10[%mul3A_1203] : memref<1024xf32, #tpu.memory_space<vmem_shared>> -> memref<64xf32, #tpu.memory_space<vmem_shared>>
      %dma_wait3A_1291 = tpu.memref_slice %arg10[%mul3A_1203] : memref<1024xf32, #tpu.memory_space<vmem_shared>> -> memref<64xf32, #tpu.memory_space<vmem_shared>>
      tpu.wait_dma2 semaphore(%run_scoped3A : memref<!tpu.dma_semaphore, #tpu.memory_space<semaphore_mem>>) src(%arg7 : memref<64xf32, #tpu.memory_space<vmem>>) dst(%dma_wait3A_1291 : memref<64xf32, #tpu.memory_space<vmem_shared>>)
      tpu.yield
    }) : () -> ()
    %barrier3A = arith.constant 0 : index
    tpu.barrier barrier_id(%barrier3A)
    "tpu.region"() ({
      %run_scoped3A = tpu.sem_alloc : memref<!tpu.dma_semaphore, #tpu.memory_space<semaphore_mem>>
      tpu.enqueue_dma source(%arg10 : memref<1024xf32, #tpu.memory_space<vmem_shared>>) target(%arg8 : memref<1024xf32, #tpu.memory_space<vmem>>) target_semaphore(%run_scoped3A : memref<!tpu.dma_semaphore, #tpu.memory_space<semaphore_mem>>)
      tpu.wait_dma2 semaphore(%run_scoped3A : memref<!tpu.dma_semaphore, #tpu.memory_space<semaphore_mem>>) src(%arg10 : memref<1024xf32, #tpu.memory_space<vmem_shared>>) dst(%arg8 : memref<1024xf32, #tpu.memory_space<vmem>>)
      tpu.yield
    }) : () -> ()
    %dma_wait3A = tpu.memref_slice %arg2[%mul3A_4] : memref<32768xi32, #tpu.memory_space<hbm>> -> memref<1024xi32, #tpu.memory_space<hbm>>
    %dma_wait3A_1204 = tpu.memref_slice %arg2[%mul3A_4] : memref<32768xi32, #tpu.memory_space<hbm>> -> memref<1024xi32, #tpu.memory_space<hbm>>
    tpu.wait_dma2 semaphore(%arg11 : memref<!tpu.dma_semaphore, #tpu.memory_space<semaphore_mem>>) src(%dma_wait3A_1204 : memref<1024xi32, #tpu.memory_space<hbm>>) dst(%arg5 : memref<1024xi32, #tpu.memory_space<vmem>>)
    %scan3A = arith.constant 0 : i32
    %scan3A_1205 = arith.constant 0 : i32
    %scan3A_1206 = arith.constant 8 : i32
    %scan3A_1207 = arith.addi %scan3A_1205, %scan3A_1206 : i32
    %scan3A_1208 = arith.constant 1 : i32
    %scan3A_1209 = scf.for %scan3A_1288 = %scan3A_1205 to %scan3A_1207 step %scan3A_1208 iter_args(%scan3A_1289 = %scan3A) -> (i32)  : i32 {
      %mul3A_1290 = arith.constant 16 : i32
      %mul3A_1291 = arith.muli %scan3A_1288, %mul3A_1290 : i32
      %add3A_1292 = arith.constant 0 : i32
      %add3A_1293 = arith.addi %add3A_1292, %mul3A_1291 : i32
      %get3A_1294 = arith.index_cast %add3A_1293 : i32 to index
      %get3A_1295 = tpu.vector_load %arg5[%get3A_1294] {strides = array<i32>} : memref<1024xi32, #tpu.memory_space<vmem>>, vector<16xi32>,
      %add3A_1296 = arith.constant 128 : i32
      %add3A_1297 = arith.addi %add3A_1293, %add3A_1296 : i32
      %get3A_1298 = arith.index_cast %add3A_1297 : i32 to index
      %get3A_1299 = tpu.vector_load %arg5[%get3A_1298] {strides = array<i32>} : memref<1024xi32, #tpu.memory_space<vmem>>, vector<16xi32>,
      %sub3A_1300 = arith.subi %get3A_1299, %get3A_1295 : vector<16xi32>
      %and3A_1301 = arith.constant 31 : i32
      %and3A_1302 = vector.broadcast %and3A_1301 : i32 to vector<16xi32>
      %and3A_1303 = arith.andi %sub3A_1300, %and3A_1302 : vector<16xi32>
      %mul3A_1304 = arith.constant 32 : i32
      %mul3A_1305 = vector.broadcast %mul3A_1304 : i32 to vector<16xi32>
      %mul3A_1306 = arith.muli %and3A_1303, %mul3A_1305 : vector<16xi32>
      %add3A_1307 = arith.addi %mul3A_1306, %get3A_1295 : vector<16xi32>
      %gather3A_1308 = tpu.vector_load_idx %arg8[%add3A_1307] : memref<1024xf32, #tpu.memory_space<vmem>>[vector<16xi32>], vector<16xf32>,
      %mul3A_1309 = arith.constant 16 : i32
      %mul3A_1310 = arith.muli %scan3A_1288, %mul3A_1309 : i32
      %add3A_1311 = arith.constant 0 : i32
      %add3A_1312 = arith.addi %add3A_1311, %mul3A_1310 : i32
      %swap3A_1313 = arith.index_cast %add3A_1312 : i32 to index
      %swap3A_1314 = tpu.vector_load %arg9[%swap3A_1313] {strides = array<i32>} : memref<512xf32, #tpu.memory_space<vmem>>, vector<16xf32>,
      tpu.vector_store %arg9[%swap3A_1313], %gather3A_1308 {strides = array<i32>} : memref<512xf32, #tpu.memory_space<vmem>>, vector<16xf32>,
      %scan3A_1315 = arith.constant 0 : i32
      scf.yield %scan3A_1315 : i32
    }
    %scan3A_1210 = arith.constant 8 : i32
    %add3A_1211 = arith.constant 0 : i32
    %add3A_1212 = arith.addi %mul3A_2, %add3A_1211 : i32
    %dma_start3A_1213 = arith.constant 0 : i32
    %dma_start3A_1214 = tpu.memref_slice %arg9[%dma_start3A_1213] : memref<512xf32, #tpu.memory_space<vmem>> -> memref<128xf32, #tpu.memory_space<vmem>>
    %dma_start3A_1215 = tpu.memref_slice %arg4[%add3A_1212] : memref<16384xf32, #tpu.memory_space<hbm>> -> memref<128xf32, #tpu.memory_space<hbm>>
    %dma_start3A_1216 = tpu.memref_slice %arg4[%add3A_1212] : memref<16384xf32, #tpu.memory_space<hbm>> -> memref<128xf32, #tpu.memory_space<hbm>>
    %dma_start3A_1217 = arith.constant 0 : i32
    %dma_start3A_1218 = tpu.memref_slice %arg9[%dma_start3A_1217] : memref<512xf32, #tpu.memory_space<vmem>> -> memref<128xf32, #tpu.memory_space<vmem>>
    tpu.enqueue_dma source(%dma_start3A_1218 : memref<128xf32, #tpu.memory_space<vmem>>) target(%dma_start3A_1216 : memref<128xf32, #tpu.memory_space<hbm>>) target_semaphore(%arg12 : memref<!tpu.dma_semaphore, #tpu.memory_space<semaphore_mem>>)
    %scan3A_1219 = arith.constant 0 : i32
    %scan3A_1220 = arith.constant 0 : i32
    %scan3A_1221 = arith.constant 8 : i32
    %scan3A_1222 = arith.addi %scan3A_1220, %scan3A_1221 : i32
    %scan3A_1223 = arith.constant 1 : i32
    %scan3A_1224 = scf.for %scan3A_1288 = %scan3A_1220 to %scan3A_1222 step %scan3A_1223 iter_args(%scan3A_1289 = %scan3A_1219) -> (i32)  : i32 {
      %mul3A_1290 = arith.constant 16 : i32
      %mul3A_1291 = arith.muli %scan3A_1288, %mul3A_1290 : i32
      %add3A_1292 = arith.constant 256 : i32
      %add3A_1293 = arith.addi %add3A_1292, %mul3A_1291 : i32
      %get3A_1294 = arith.index_cast %add3A_1293 : i32 to index
      %get3A_1295 = tpu.vector_load %arg5[%get3A_1294] {strides = array<i32>} : memref<1024xi32, #tpu.memory_space<vmem>>, vector<16xi32>,
      %add3A_1296 = arith.constant 128 : i32
      %add3A_1297 = arith.addi %add3A_1293, %add3A_1296 : i32
      %get3A_1298 = arith.index_cast %add3A_1297 : i32 to index
      %get3A_1299 = tpu.vector_load %arg5[%get3A_1298] {strides = array<i32>} : memref<1024xi32, #tpu.memory_space<vmem>>, vector<16xi32>,
      %sub3A_1300 = arith.subi %get3A_1299, %get3A_1295 : vector<16xi32>
      %and3A_1301 = arith.constant 31 : i32
      %and3A_1302 = vector.broadcast %and3A_1301 : i32 to vector<16xi32>
      %and3A_1303 = arith.andi %sub3A_1300, %and3A_1302 : vector<16xi32>
      %mul3A_1304 = arith.constant 32 : i32
      %mul3A_1305 = vector.broadcast %mul3A_1304 : i32 to vector<16xi32>
      %mul3A_1306 = arith.muli %and3A_1303, %mul3A_1305 : vector<16xi32>
      %add3A_1307 = arith.addi %mul3A_1306, %get3A_1295 : vector<16xi32>
      %gather3A_1308 = tpu.vector_load_idx %arg8[%add3A_1307] : memref<1024xf32, #tpu.memory_space<vmem>>[vector<16xi32>], vector<16xf32>,
      %mul3A_1309 = arith.constant 16 : i32
      %mul3A_1310 = arith.muli %scan3A_1288, %mul3A_1309 : i32
      %add3A_1311 = arith.constant 128 : i32
      %add3A_1312 = arith.addi %add3A_1311, %mul3A_1310 : i32
      %swap3A_1313 = arith.index_cast %add3A_1312 : i32 to index
      %swap3A_1314 = tpu.vector_load %arg9[%swap3A_1313] {strides = array<i32>} : memref<512xf32, #tpu.memory_space<vmem>>, vector<16xf32>,
      tpu.vector_store %arg9[%swap3A_1313], %gather3A_1308 {strides = array<i32>} : memref<512xf32, #tpu.memory_space<vmem>>, vector<16xf32>,
      %scan3A_1315 = arith.constant 0 : i32
      scf.yield %scan3A_1315 : i32
    }
    %scan3A_1225 = arith.constant 8 : i32
    %add3A_1226 = arith.constant 128 : i32
    %add3A_1227 = arith.addi %mul3A_2, %add3A_1226 : i32
    %dma_start3A_1228 = arith.constant 128 : i32
    %dma_start3A_1229 = tpu.memref_slice %arg9[%dma_start3A_1228] : memref<512xf32, #tpu.memory_space<vmem>> -> memref<128xf32, #tpu.memory_space<vmem>>
    %dma_start3A_1230 = tpu.memref_slice %arg4[%add3A_1227] : memref<16384xf32, #tpu.memory_space<hbm>> -> memref<128xf32, #tpu.memory_space<hbm>>
    %dma_start3A_1231 = tpu.memref_slice %arg4[%add3A_1227] : memref<16384xf32, #tpu.memory_space<hbm>> -> memref<128xf32, #tpu.memory_space<hbm>>
    %dma_start3A_1232 = arith.constant 128 : i32
    %dma_start3A_1233 = tpu.memref_slice %arg9[%dma_start3A_1232] : memref<512xf32, #tpu.memory_space<vmem>> -> memref<128xf32, #tpu.memory_space<vmem>>
    tpu.enqueue_dma source(%dma_start3A_1233 : memref<128xf32, #tpu.memory_space<vmem>>) target(%dma_start3A_1231 : memref<128xf32, #tpu.memory_space<hbm>>) target_semaphore(%arg12 : memref<!tpu.dma_semaphore, #tpu.memory_space<semaphore_mem>>)
    %scan3A_1234 = arith.constant 0 : i32
    %scan3A_1235 = arith.constant 0 : i32
    %scan3A_1236 = arith.constant 8 : i32
    %scan3A_1237 = arith.addi %scan3A_1235, %scan3A_1236 : i32
    %scan3A_1238 = arith.constant 1 : i32
    %scan3A_1239 = scf.for %scan3A_1288 = %scan3A_1235 to %scan3A_1237 step %scan3A_1238 iter_args(%scan3A_1289 = %scan3A_1234) -> (i32)  : i32 {
      %mul3A_1290 = arith.constant 16 : i32
      %mul3A_1291 = arith.muli %scan3A_1288, %mul3A_1290 : i32
      %add3A_1292 = arith.constant 512 : i32
      %add3A_1293 = arith.addi %add3A_1292, %mul3A_1291 : i32
      %get3A_1294 = arith.index_cast %add3A_1293 : i32 to index
      %get3A_1295 = tpu.vector_load %arg5[%get3A_1294] {strides = array<i32>} : memref<1024xi32, #tpu.memory_space<vmem>>, vector<16xi32>,
      %add3A_1296 = arith.constant 128 : i32
      %add3A_1297 = arith.addi %add3A_1293, %add3A_1296 : i32
      %get3A_1298 = arith.index_cast %add3A_1297 : i32 to index
      %get3A_1299 = tpu.vector_load %arg5[%get3A_1298] {strides = array<i32>} : memref<1024xi32, #tpu.memory_space<vmem>>, vector<16xi32>,
      %sub3A_1300 = arith.subi %get3A_1299, %get3A_1295 : vector<16xi32>
      %and3A_1301 = arith.constant 31 : i32
      %and3A_1302 = vector.broadcast %and3A_1301 : i32 to vector<16xi32>
      %and3A_1303 = arith.andi %sub3A_1300, %and3A_1302 : vector<16xi32>
      %mul3A_1304 = arith.constant 32 : i32
      %mul3A_1305 = vector.broadcast %mul3A_1304 : i32 to vector<16xi32>
      %mul3A_1306 = arith.muli %and3A_1303, %mul3A_1305 : vector<16xi32>
      %add3A_1307 = arith.addi %mul3A_1306, %get3A_1295 : vector<16xi32>
      %gather3A_1308 = tpu.vector_load_idx %arg8[%add3A_1307] : memref<1024xf32, #tpu.memory_space<vmem>>[vector<16xi32>], vector<16xf32>,
      %mul3A_1309 = arith.constant 16 : i32
      %mul3A_1310 = arith.muli %scan3A_1288, %mul3A_1309 : i32
      %add3A_1311 = arith.constant 256 : i32
      %add3A_1312 = arith.addi %add3A_1311, %mul3A_1310 : i32
      %swap3A_1313 = arith.index_cast %add3A_1312 : i32 to index
      %swap3A_1314 = tpu.vector_load %arg9[%swap3A_1313] {strides = array<i32>} : memref<512xf32, #tpu.memory_space<vmem>>, vector<16xf32>,
      tpu.vector_store %arg9[%swap3A_1313], %gather3A_1308 {strides = array<i32>} : memref<512xf32, #tpu.memory_space<vmem>>, vector<16xf32>,
      %scan3A_1315 = arith.constant 0 : i32
      scf.yield %scan3A_1315 : i32
    }
    %scan3A_1240 = arith.constant 8 : i32
    %add3A_1241 = arith.constant 256 : i32
    %add3A_1242 = arith.addi %mul3A_2, %add3A_1241 : i32
    %dma_start3A_1243 = arith.constant 256 : i32
    %dma_start3A_1244 = tpu.memref_slice %arg9[%dma_start3A_1243] : memref<512xf32, #tpu.memory_space<vmem>> -> memref<128xf32, #tpu.memory_space<vmem>>
    %dma_start3A_1245 = tpu.memref_slice %arg4[%add3A_1242] : memref<16384xf32, #tpu.memory_space<hbm>> -> memref<128xf32, #tpu.memory_space<hbm>>
    %dma_start3A_1246 = tpu.memref_slice %arg4[%add3A_1242] : memref<16384xf32, #tpu.memory_space<hbm>> -> memref<128xf32, #tpu.memory_space<hbm>>
    %dma_start3A_1247 = arith.constant 256 : i32
    %dma_start3A_1248 = tpu.memref_slice %arg9[%dma_start3A_1247] : memref<512xf32, #tpu.memory_space<vmem>> -> memref<128xf32, #tpu.memory_space<vmem>>
    tpu.enqueue_dma source(%dma_start3A_1248 : memref<128xf32, #tpu.memory_space<vmem>>) target(%dma_start3A_1246 : memref<128xf32, #tpu.memory_space<hbm>>) target_semaphore(%arg12 : memref<!tpu.dma_semaphore, #tpu.memory_space<semaphore_mem>>)
    %scan3A_1249 = arith.constant 0 : i32
    %scan3A_1250 = arith.constant 0 : i32
    %scan3A_1251 = arith.constant 8 : i32
    %scan3A_1252 = arith.addi %scan3A_1250, %scan3A_1251 : i32
    %scan3A_1253 = arith.constant 1 : i32
    %scan3A_1254 = scf.for %scan3A_1288 = %scan3A_1250 to %scan3A_1252 step %scan3A_1253 iter_args(%scan3A_1289 = %scan3A_1249) -> (i32)  : i32 {
      %mul3A_1290 = arith.constant 16 : i32
      %mul3A_1291 = arith.muli %scan3A_1288, %mul3A_1290 : i32
      %add3A_1292 = arith.constant 768 : i32
      %add3A_1293 = arith.addi %add3A_1292, %mul3A_1291 : i32
      %get3A_1294 = arith.index_cast %add3A_1293 : i32 to index
      %get3A_1295 = tpu.vector_load %arg5[%get3A_1294] {strides = array<i32>} : memref<1024xi32, #tpu.memory_space<vmem>>, vector<16xi32>,
      %add3A_1296 = arith.constant 128 : i32
      %add3A_1297 = arith.addi %add3A_1293, %add3A_1296 : i32
      %get3A_1298 = arith.index_cast %add3A_1297 : i32 to index
      %get3A_1299 = tpu.vector_load %arg5[%get3A_1298] {strides = array<i32>} : memref<1024xi32, #tpu.memory_space<vmem>>, vector<16xi32>,
      %sub3A_1300 = arith.subi %get3A_1299, %get3A_1295 : vector<16xi32>
      %and3A_1301 = arith.constant 31 : i32
      %and3A_1302 = vector.broadcast %and3A_1301 : i32 to vector<16xi32>
      %and3A_1303 = arith.andi %sub3A_1300, %and3A_1302 : vector<16xi32>
      %mul3A_1304 = arith.constant 32 : i32
      %mul3A_1305 = vector.broadcast %mul3A_1304 : i32 to vector<16xi32>
      %mul3A_1306 = arith.muli %and3A_1303, %mul3A_1305 : vector<16xi32>
      %add3A_1307 = arith.addi %mul3A_1306, %get3A_1295 : vector<16xi32>
      %gather3A_1308 = tpu.vector_load_idx %arg8[%add3A_1307] : memref<1024xf32, #tpu.memory_space<vmem>>[vector<16xi32>], vector<16xf32>,
      %mul3A_1309 = arith.constant 16 : i32
      %mul3A_1310 = arith.muli %scan3A_1288, %mul3A_1309 : i32
      %add3A_1311 = arith.constant 384 : i32
      %add3A_1312 = arith.addi %add3A_1311, %mul3A_1310 : i32
      %swap3A_1313 = arith.index_cast %add3A_1312 : i32 to index
      %swap3A_1314 = tpu.vector_load %arg9[%swap3A_1313] {strides = array<i32>} : memref<512xf32, #tpu.memory_space<vmem>>, vector<16xf32>,
      tpu.vector_store %arg9[%swap3A_1313], %gather3A_1308 {strides = array<i32>} : memref<512xf32, #tpu.memory_space<vmem>>, vector<16xf32>,
      %scan3A_1315 = arith.constant 0 : i32
      scf.yield %scan3A_1315 : i32
    }
    %scan3A_1255 = arith.constant 8 : i32
    %add3A_1256 = arith.constant 384 : i32
    %add3A_1257 = arith.addi %mul3A_2, %add3A_1256 : i32
    %dma_start3A_1258 = arith.constant 384 : i32
    %dma_start3A_1259 = tpu.memref_slice %arg9[%dma_start3A_1258] : memref<512xf32, #tpu.memory_space<vmem>> -> memref<128xf32, #tpu.memory_space<vmem>>
    %dma_start3A_1260 = tpu.memref_slice %arg4[%add3A_1257] : memref<16384xf32, #tpu.memory_space<hbm>> -> memref<128xf32, #tpu.memory_space<hbm>>
    %dma_start3A_1261 = tpu.memref_slice %arg4[%add3A_1257] : memref<16384xf32, #tpu.memory_space<hbm>> -> memref<128xf32, #tpu.memory_space<hbm>>
    %dma_start3A_1262 = arith.constant 384 : i32
    %dma_start3A_1263 = tpu.memref_slice %arg9[%dma_start3A_1262] : memref<512xf32, #tpu.memory_space<vmem>> -> memref<128xf32, #tpu.memory_space<vmem>>
    tpu.enqueue_dma source(%dma_start3A_1263 : memref<128xf32, #tpu.memory_space<vmem>>) target(%dma_start3A_1261 : memref<128xf32, #tpu.memory_space<hbm>>) target_semaphore(%arg12 : memref<!tpu.dma_semaphore, #tpu.memory_space<semaphore_mem>>)
    %dma_wait3A_1264 = arith.constant 0 : i32
    %dma_wait3A_1265 = tpu.memref_slice %arg9[%dma_wait3A_1264] : memref<512xf32, #tpu.memory_space<vmem>> -> memref<128xf32, #tpu.memory_space<vmem>>
    %dma_wait3A_1266 = tpu.memref_slice %arg4[%add3A_1212] : memref<16384xf32, #tpu.memory_space<hbm>> -> memref<128xf32, #tpu.memory_space<hbm>>
    %dma_wait3A_1267 = tpu.memref_slice %arg4[%add3A_1212] : memref<16384xf32, #tpu.memory_space<hbm>> -> memref<128xf32, #tpu.memory_space<hbm>>
    %dma_wait3A_1268 = arith.constant 0 : i32
    %dma_wait3A_1269 = tpu.memref_slice %arg9[%dma_wait3A_1268] : memref<512xf32, #tpu.memory_space<vmem>> -> memref<128xf32, #tpu.memory_space<vmem>>
    tpu.wait_dma2 semaphore(%arg12 : memref<!tpu.dma_semaphore, #tpu.memory_space<semaphore_mem>>) src(%dma_wait3A_1269 : memref<128xf32, #tpu.memory_space<vmem>>) dst(%dma_wait3A_1267 : memref<128xf32, #tpu.memory_space<hbm>>)
    %dma_wait3A_1270 = arith.constant 128 : i32
    %dma_wait3A_1271 = tpu.memref_slice %arg9[%dma_wait3A_1270] : memref<512xf32, #tpu.memory_space<vmem>> -> memref<128xf32, #tpu.memory_space<vmem>>
    %dma_wait3A_1272 = tpu.memref_slice %arg4[%add3A_1227] : memref<16384xf32, #tpu.memory_space<hbm>> -> memref<128xf32, #tpu.memory_space<hbm>>
    %dma_wait3A_1273 = tpu.memref_slice %arg4[%add3A_1227] : memref<16384xf32, #tpu.memory_space<hbm>> -> memref<128xf32, #tpu.memory_space<hbm>>
    %dma_wait3A_1274 = arith.constant 128 : i32
    %dma_wait3A_1275 = tpu.memref_slice %arg9[%dma_wait3A_1274] : memref<512xf32, #tpu.memory_space<vmem>> -> memref<128xf32, #tpu.memory_space<vmem>>
    tpu.wait_dma2 semaphore(%arg12 : memref<!tpu.dma_semaphore, #tpu.memory_space<semaphore_mem>>) src(%dma_wait3A_1275 : memref<128xf32, #tpu.memory_space<vmem>>) dst(%dma_wait3A_1273 : memref<128xf32, #tpu.memory_space<hbm>>)
    %dma_wait3A_1276 = arith.constant 256 : i32
    %dma_wait3A_1277 = tpu.memref_slice %arg9[%dma_wait3A_1276] : memref<512xf32, #tpu.memory_space<vmem>> -> memref<128xf32, #tpu.memory_space<vmem>>
    %dma_wait3A_1278 = tpu.memref_slice %arg4[%add3A_1242] : memref<16384xf32, #tpu.memory_space<hbm>> -> memref<128xf32, #tpu.memory_space<hbm>>
    %dma_wait3A_1279 = tpu.memref_slice %arg4[%add3A_1242] : memref<16384xf32, #tpu.memory_space<hbm>> -> memref<128xf32, #tpu.memory_space<hbm>>
    %dma_wait3A_1280 = arith.constant 256 : i32
    %dma_wait3A_1281 = tpu.memref_slice %arg9[%dma_wait3A_1280] : memref<512xf32, #tpu.memory_space<vmem>> -> memref<128xf32, #tpu.memory_space<vmem>>
    tpu.wait_dma2 semaphore(%arg12 : memref<!tpu.dma_semaphore, #tpu.memory_space<semaphore_mem>>) src(%dma_wait3A_1281 : memref<128xf32, #tpu.memory_space<vmem>>) dst(%dma_wait3A_1279 : memref<128xf32, #tpu.memory_space<hbm>>)
    %dma_wait3A_1282 = arith.constant 384 : i32
    %dma_wait3A_1283 = tpu.memref_slice %arg9[%dma_wait3A_1282] : memref<512xf32, #tpu.memory_space<vmem>> -> memref<128xf32, #tpu.memory_space<vmem>>
    %dma_wait3A_1284 = tpu.memref_slice %arg4[%add3A_1257] : memref<16384xf32, #tpu.memory_space<hbm>> -> memref<128xf32, #tpu.memory_space<hbm>>
    %dma_wait3A_1285 = tpu.memref_slice %arg4[%add3A_1257] : memref<16384xf32, #tpu.memory_space<hbm>> -> memref<128xf32, #tpu.memory_space<hbm>>
    %dma_wait3A_1286 = arith.constant 384 : i32
    %dma_wait3A_1287 = tpu.memref_slice %arg9[%dma_wait3A_1286] : memref<512xf32, #tpu.memory_space<vmem>> -> memref<128xf32, #tpu.memory_space<vmem>>
    tpu.wait_dma2 semaphore(%arg12 : memref<!tpu.dma_semaphore, #tpu.memory_space<semaphore_mem>>) src(%dma_wait3A_1287 : memref<128xf32, #tpu.memory_space<vmem>>) dst(%dma_wait3A_1285 : memref<128xf32, #tpu.memory_space<hbm>>)
    return
  }
}

</mosaic_0001>

<sc_bundles>
// kernel: kernel.3.cloned.1.call-start
scs
__scs_entry_jumppad:
0x0: {  	(pc) =	sbr.rel $0x88, $3  }
0x1: {  	(tag) =	ssettag $0x0;
	lr =	simm.s32 $0x1  }
0x2: {  	[smem:$0x3F9A] =	sst lr;
	_ =	strace $0xD0000000  }
0x3: {  	_ = 	snop  }
0x4: {  	_ = 	snop  }
0x5: {  	_ = 	snop  }
0x6: {  	_ = 	snop  }
0x7: {  	_ = 	snop  }
__scs_overlays_trampoline_lowered:
0x8: {  	[smem:$0x3FA9] =	sst s0  }
0x9: {  	[smem:$0x3FAA] =	sst s1  }
0xa: {  	[smem:$0x3FAB] =	sst s2  }
0xb: {  	[smem:$0x3FAC] =	sst s3  }
0xc: {  	[smem:$0x3FAD] =	sst s4  }
0xd: {  	[smem:$0x3FAE] =	sst s5  }
0xe: {  	[smem:$0x3FAF] =	sst s6  }
0xf: {  	[smem:$0x3FB0] =	sst s7  }
0x10: {  	[smem:$0x3FB1] =	sst s8  }
0x11: {  	[smem:$0x3FB2] =	sst s9;
	s0 =	simm.s32 @!p0 $0x0  }
0x12: {  	s1 =	sld [smem:$0x3F98];
	s0 =	simm.s32 @p0 $0x1  }
0x13: {  	[smem:$0x3FB3] =	sst s0;
	s0 =	simm.s32 @!p1 $0x0  }
0x14: {  	s2 =	sld [smem:$0x3F97];
	s0 =	simm.s32 @p1 $0x1  }
0x15: {  	[smem:$0x3FB4] =	sst s0;
	s0 =	simm.s32 @!p2 $0x0  }
0x16: {  	s3 =	sld [smem:$0x3FDB];
	s0 =	simm.s32 @p2 $0x1  }
0x17: {  	s4 =	simm.s32 $0x1BF5;
	[smem:$0x3FB6] =	sst s0  }
0x18: {  	s0 =	sld [smem:$0x3F99];
	_ =	swait.ge [sflag:s4], $0x0  }
0x19: {  	s7 =	sld [smem:$0x3F9A]  }
0x1a: {  	s8 =	sadd.s32 $0xFFFFE003, lr  }
0x1b: {  	s9 =	sadd.s32 $0xFFFFFEF7, lr;
	s5 =	simm.s32 $0xFFFFFFFF;
	p2 =	slt.u32 s8, $0xFFFFF086  }
0x1c: {  	p1 =	slt.u32 s9, $0xF7A;
	s5 =	simm.s32 @!p2 $0x0  }
0x1d: {  	s5 =	simm.s32 @p1 $0x1;
	p0 =	seq.s32 s7, s2  }
0x1e: {  	s7 =	smul.u32 @!p0 $0xF7A, s2;
	p2 =	seq.s32 @!p0 s5, $0x0  }
0x1f: {  	s9 =	smul.u32 $0xF7A, s1;
	s8 =	simm.s32 @!p0 $0x1BF5;
	p2 =	por !p2, p0  }
0x20: {  	[sflag:s8] =	ssyncset.s32 @!p0 $0xFFFFF086;
	s6 =	sadd.s32 @!p0 s3, s7;
	s7 =	simm.s32 @!p0 $0x108  }
0x21: {  	s3 =	sadd.s32 s3, s9;
	s6 =	sadd.s32 @!p0 $0x88, s6;
	s7 =	simm.s32 @p2 $0x1082  }
0x22: {  	[simem:s7], [sflag:s8] =	dma.local @!p0 [hbm:s6], $0xF7A  }
0x23: {  	s9 =	sor.u32 $0xD0000000, s2;
	s6 =	simm.s32 $0x108;
	_ =	swait.ge @!p0 [sflag:s8], $0x0  }
0x24: {  	s3 =	sadd.s32 $0x88, s3;
	s6 =	simm.s32 @!p1 $0x1082;
	[sflag:s4] =	ssyncset.s32 $0xFFFFF086  }
0x25: {  	[simem:s6], [sflag:s4] =	dma.local [hbm:s3], $0xF7A  }
0x26: {  	[smem:$0x3F9A] =	sst s1;
	(tag) =	ssettag s2;
	_ =	strace s9  }
0x27: {  	s1 =	sld [smem:$0x3FAA]  }
0x28: {  	s2 =	sld [smem:$0x3FAB]  }
0x29: {  	s4 =	sld [smem:$0x3FAD]  }
0x2a: {  	p0 =	seq.s32 s5, $0x0;
	s5 =	sld [smem:$0x3FAE]  }
0x2b: {  	s6 =	sld [smem:$0x3FAF]  }
0x2c: {  	s7 =	sld [smem:$0x3FB0]  }
0x2d: {  	s3 =	simm.s32 $0x108;
	s8 =	sld [smem:$0x3FB1]  }
0x2e: {  	s3 =	simm.s32 @!p0 $0x1082;
	s9 =	sld [smem:$0x3FB2]  }
0x2f: {  	lr =	sadd.s32 s0, s3;
	s0 =	sld [smem:$0x3FA9]  }
0x30: {  	s3 =	sld [smem:$0x3FAC]  }
0x31: {  	[smem:$0x3FB5] =	sst s10  }
0x32: {  	s10 =	sld [smem:$0x3FB3];
	_ =	sdelay $0x3  }
0x33: {  	p0 =	seq.s32 s10, $0x1;
	s10 =	sld [smem:$0x3FB5];
	_ =	sdelay $0x3  }
0x34: {  	[smem:$0x3FB5] =	sst s10  }
0x35: {  	s10 =	sld [smem:$0x3FB4];
	_ =	sdelay $0x3  }
0x36: {  	p1 =	seq.s32 s10, $0x1;
	s10 =	sld [smem:$0x3FB5];
	_ =	sdelay $0x3  }
0x37: {  	[smem:$0x3FB5] =	sst s10  }
0x38: {  	s10 =	sld [smem:$0x3FB6]  }
0x39: {  	_ = 	snop;
	(pc) =	sbr.ind lr, $3  }
0x3a: {  	_ = 	snop  }
0x3b: {  	_ = 	snop  }
0x3c: {  	p2 =	seq.s32 s10, $0x1;
	s10 =	sld [smem:$0x3FB5]  }
0x3d: {  	_ =	shalt  }
0x3e: {  	_ =	shalt  }
0x3f: {  	_ =	shalt  }
0x40: {  	_ =	shalt  }
0x41: {  	_ =	shalt  }
0x42: {  	_ =	shalt  }
0x43: {  	_ =	shalt  }
0x44: {  	_ =	shalt  }
0x45: {  	_ =	shalt  }
0x46: {  	_ =	shalt  }
0x47: {  	_ =	shalt  }
0x48: {  	_ =	shalt  }
0x49: {  	_ =	shalt  }
0x4a: {  	_ =	shalt  }
0x4b: {  	_ =	shalt  }
0x4c: {  	_ =	shalt  }
0x4d: {  	_ =	shalt  }
0x4e: {  	_ =	shalt  }
0x4f: {  	_ =	shalt  }
0x50: {  	_ =	shalt  }
0x51: {  	_ =	shalt  }
0x52: {  	_ =	shalt  }
0x53: {  	_ =	shalt  }
0x54: {  	_ =	shalt  }
0x55: {  	_ =	shalt  }
0x56: {  	_ =	shalt  }
0x57: {  	_ =	shalt  }
0x58: {  	_ =	shalt  }
0x59: {  	_ =	shalt  }
0x5a: {  	_ =	shalt  }
0x5b: {  	_ =	shalt  }
0x5c: {  	_ =	shalt  }
0x5d: {  	_ =	shalt  }
0x5e: {  	_ =	shalt  }
0x5f: {  	_ =	shalt  }
0x60: {  	_ =	shalt  }
0x61: {  	_ =	shalt  }
0x62: {  	_ =	shalt  }
0x63: {  	_ =	shalt  }
0x64: {  	_ =	shalt  }
0x65: {  	_ =	shalt  }
0x66: {  	_ =	shalt  }
0x67: {  	_ =	shalt  }
0x68: {  	_ =	shalt  }
0x69: {  	_ =	shalt  }
0x6a: {  	_ =	shalt  }
0x6b: {  	_ =	shalt  }
0x6c: {  	_ =	shalt  }
0x6d: {  	_ =	shalt  }
0x6e: {  	_ =	shalt  }
0x6f: {  	_ =	shalt  }
0x70: {  	_ =	shalt  }
0x71: {  	_ =	shalt  }
0x72: {  	_ =	shalt  }
0x73: {  	_ =	shalt  }
0x74: {  	_ =	shalt  }
0x75: {  	_ =	shalt  }
0x76: {  	_ =	shalt  }
0x77: {  	_ =	shalt  }
0x78: {  	_ =	shalt  }
0x79: {  	_ =	shalt  }
0x7a: {  	_ =	shalt  }
0x7b: {  	_ =	shalt  }
0x7c: {  	_ =	shalt  }
0x7d: {  	_ =	shalt  }
0x7e: {  	_ =	shalt  }
0x7f: {  	_ =	shalt  }
0x80: {  	_ =	shalt  }
0x81: {  	_ =	shalt  }
0x82: {  	_ =	shalt  }
0x83: {  	_ =	shalt  }
0x84: {  	_ =	shalt  }
0x85: {  	_ =	shalt  }
0x86: {  	_ =	shalt  }
0x87: {  	_ =	shalt  }
.Lfunc_end0:
.L_simem_size_0:
called_computation_lowered:
.L_overlay_start_0:
0x88: {  	s2 =	sld [smem:$0x3FD9]  }
0x89: {  	s3 =	sld [smem:$0x3FFE];
	_ =	sdelay $0x1  }
0x8a: {  	s1 =	srdreg.scid  }
0x8b: {  	s0 =	sand.u32 $0x1, s1  }
0x8c: {  	s17 =	sshll.u32 s0, $0xA;
	s2 =	sadd.s32 s3, s2  }
0x8d: {  	s2 =	sadd.s32 s2, s17  }
0x8e: {  	[smem:$0x3FC1] =	sst s2  }
0x8f: {  	_ = 	snop  }
0x90: {  	s2 =	sld [smem:$0x3FC9]  }
0x91: {  	s18 =	sld [smem:$0x3FD0];
	(tm) =	ssettm $0x1  }
0x92: {  	s4 =	sld [smem:$0x3FFB];
	_ =	sdelay $0x3  }
0x93: {  	_ =	strace s4  }
0x94: {  	s4 =	sld [smem:$0x3FFC];
	_ =	sdelay $0x3  }
0x95: {  	_ =	strace s4  }
0x96: {  	s4 =	sld [smem:$0x3FFD];
	_ =	sdelay $0x3  }
0x97: {  	_ =	strace s4  }
0x98: {  	_ =	strace $0x8FFFFFFF  }
0x99: {  	s19 =	sld [smem:$0x3FDB];
	_ =	sdelay $0x1  }
0x9a: {  	s5 =	simm.s32 $_scs_section_size  }
0x9b: {  	s6 =	simm.s32 $_size__tile_overlayer_lowered;
	s7 =	simm.s32 $_tile_overlayer_lowered  }
0x9c: {  	s22 =	simm.s32 $0x1BFF;
	s21 =	sshll.u32 s7, $0x1;
	s4 =	sadd.s32 s5, s19  }
0x9d: {  	s8 =	simm.s32 $0x0;
	s20 =	sshll.u32 s6, $0x1;
	s6 =	sadd.s32 s21, s4  }
0x9e: {  	[timem:s8], [sflag:s22] =	dma.local [hbm:s6], s20  }
0x9f: {  	_ =	swait.ge [sflag:s22], s20  }
0xa0: {  	s5 =	ssub.s32 $0x0, s20;
	[sflag:s22] =	ssyncset.done $0x0  }
0xa1: {  	[sflag:s22] =	ssyncadd.s32 s5;
	_ =	sdelay $0x1  }
0xa2: {  	s23 =	simm.s32 $0x1B8B  }
0xa3: {  	_ =	swait.ge [sflag:s23], $0x1  }
0xa4: {  	[sflag:s23] =	ssyncset.done $0x0  }
0xa5: {  	s25 =	simm.s32 $0x1B8E;
	s24 =	sld [smem:$0x3FFE];
	[sflag:s23] =	ssyncadd.s32 $0xFFFFFFFF  }
0xa6: {  	s26 =	simm.s32 $execute0_lowered;
	[smem:$0x3FD2] =	sst s25  }
0xa7: {  	s6 =	sshll.u32 s26, $0x1;
	_ =	strace $0x80000046;
	[dreg:$0x1] =	wrdreg $0xFFFFFFFF  }
0xa8: {  	s28 =	simm.s32 $_size_execute0_lowered;
	s4 =	sadd.s32 s4, s6;
	[dreg:$0x0] =	wrdreg $0x0  }
0xa9: {  	s6 =	sshll.u32 s28, $0x1;
	[dreg:$0x2] =	wrdreg s4  }
0xaa: {  	[dreg:$0x3] =	wrdreg s6  }
0xab: {  	[dreg:$0x4] =	wrdreg $0xC0  }
0xac: {  	_ =	task [dreg:s8], $0x5FFFF  }
0xad: {  	[dreg:$0x1] =	wrdreg $0xFFFFFFFF  }
0xae: {  	[dreg:$0x0] =	wrdreg $0x60  }
0xaf: {  	[dreg:$0x2] =	wrdreg s2  }
0xb0: {  	[dreg:$0x3] =	wrdreg s24  }
0xb1: {  	[dreg:$0x4] =	wrdreg s18  }
0xb2: {  	[dreg:$0x5] =	wrdreg $0xC000  }
0xb3: {  	[dreg:$0x6] =	wrdreg $0x9  }
0xb4: {  	_ =	task.clear_ibuf [dreg:s8], $0x7FFFF;
	_ =	strace $0x90000046  }
0xb5: {  	s29 =	simm.s32 $0x9;
	_ =	strace $0x80000048  }
0xb6: {  	_ =	swait.ge [sflag:s29], $0x1  }
0xb7: {  	[sflag:s29] =	ssyncadd.s32 $0xFFFFFFFF  }
0xb8: {  	_ =	strace $0x90000048  }
0xb9: {  	_ =	sfence  }
0xba: {  	s30 =	sld [smem:$0x0];
	_ =	sdelay $0x2  }
0xbb: {  	s31 =	sshll.u32 s1, $0xD;
	s1 =	sshrl.u32 s1, $0x2  }
0xbc: {  	s3 =	sand.u32 $0x4000, s31;
	s1 =	sadd.s32 s1, s30  }
0xbd: {  	s0 =	sor.u32 s3, s0;
	s1 =	sshll.u32 s1, $0x11  }
0xbe: {  	s0 =	sor.u32 s1, s0  }
0xbf: {  	s0 =	sadd.s32 $0x8F2B, s0  }
0xc0: {  	[sflag:s0] =	ssyncadd.remote.s32 $0x1  }
0xc1: {  	_ =	sfence.sel $0xFFFF  }
0xc2: {  	[dreg:$0x0] =	wrdreg $0xFFFFFFFF;
	(pc) =	sbr.abs _section_cstart, $3  }
0xc3: {  	[dreg:$0x1] =	wrdreg $0xFFFFFFFF  }
0xc4: {  	_ =	task.clear_ibuf [dreg:s8], $0x2FFFF;
	_ =	strace $0x9FFFFFFF  }
0xc5: {  	(tm) =	ssettm $0x7FFFFFFF  }
tec
execute0_lowered:
.L_overlay_start_1:
0x0: {  	(tag) =	ssettag $0x1  }
0x1: {  	v1 =	vlaneseq.u32  }
0x2: {  	vm0 =	vcmask $0x171C;
	vm1 =	vcmask $0x1B20;
	vm2 =	vcmask $0x1F24  }
0x3: {  	vm3 =	vcmask $0x2328;
	vm4 =	vcmask $0x272C;
	vm5 =	vcmask $0x2B30  }
0x4: {  	vm6 =	vcmask $0x2F34;
	vm13 =	vcmask $0xF00;
	vm7 =	vcmask $0x3338  }
0x5: {  	vm8 =	vcmask $0x373C;
	vm10 =	vcmask $0x1F10;
	vm12 =	vcmask $0x2320  }
0x6: {  	vm9 =	vmmov $0x7fff;
	vm11 =	vcmask $0x2724;
	v5 =	vimm.s32 $0xC1B7ADA3  }
0x7: {  	v6 =	vimm.s32 $0xE7DDD3C9;
	v8 =	vimm.s32 $0xC2B8AEA4;
	v9 =	vimm.s32 $0xE8DED4CA  }
0x8: {  	v40 =	vimm.s32 $0xC3B9AFA5;
	v41 =	vimm.s32 $0xE9DFD5CB;
	v42 =	vimm.s32 $0xC4BAB0A6  }
0x9: {  	v43 =	vimm.s32 $0xC5BBB1A7;
	v44 =	vimm.s32 $0xC6BCB2A8;
	v45 =	vimm.s32 $0xC7BDB3A9  }
0xa: {  	v46 =	vimm.s32 $0xEAE0D6CC;
	v47 =	vimm.s32 $0xEBE1D7CD;
	v48 =	vimm.s32 $0xECE2D8CE  }
0xb: {  	v56 =	vimm.s32 $0xEDE3D9CF;
	v57 =	vimm.s32 $0xEEE4DAD0;
	v58 =	vimm.s32 $0xEFE5DBD1  }
0xc: {  	v2 =	vor.u32 $0x10, v1;
	v5 =	vunpack.c.0.s8.s32 v5;
	v6 =	vunpack.c.0.s8.s32 v6  }
0xd: {  	v8 =	vunpack.c.0.s8.s32 v8;
	v9 =	vunpack.c.0.s8.s32 v9;
	v40 =	vunpack.c.0.s8.s32 v40  }
0xe: {  	s0 =	stileid.u32;
	v41 =	vunpack.c.0.s8.s32 v41;
	v42 =	vunpack.c.0.s8.s32 v42;
	v43 =	vunpack.c.0.s8.s32 v43  }
0xf: {  	s5 =	sshll.u32 s0, $0x1;
	v44 =	vunpack.c.0.s8.s32 v44;
	v45 =	vunpack.c.0.s8.s32 v45;
	v46 =	vunpack.c.0.s8.s32 v46  }
0x10: {  	s1 =	sshllo.u32 s0, $0x1;
	v47 =	vunpack.c.0.s8.s32 v47;
	v48 =	vunpack.c.0.s8.s32 v48;
	v0 =	vadd.s32 s5, v1  }
0x11: {  	v3 =	vadd.s32 s5, v2;
	v2 =	vadd.s32 s1, v2;
	v0 =	vand.u32 $0x1F, v0  }
0x12: {  	v3 =	vand.u32 $0x1F, v3;
	v2 =	vand.u32 $0x1F, v2;
	v5 =	vand.u32 $0xFF, v5  }
0x13: {  	v8 =	vand.u32 $0xFF, v8;
	v40 =	vand.u32 $0xFF, v40;
	v42 =	vand.u32 $0xFF, v42  }
0x14: {  	v43 =	vand.u32 $0xFF, v43;
	v44 =	vand.u32 $0xFF, v44;
	v45 =	vand.u32 $0xFF, v45  }
0x15: {  	v6 =	vand.u32 $0xFF, v6;
	v9 =	vand.u32 $0xFF, v9;
	v41 =	vand.u32 $0xFF, v41  }
0x16: {  	v54 =	vand.u32 $0xFF, v47;
	v55 =	vand.u32 $0xFF, v48;
	v47 =	vunpack.c.0.s8.s32 v57  }
0x17: {  	v48 =	vunpack.c.0.s8.s32 v58;
	v0 =	vmin.u32 v0, $0x1E;
	v3 =	vmin.u32 v3, $0x1E  }
0x18: {  	v2 =	vmin.u32 v2, $0x1E;
	v5 =	vnsel vm13, $0x12F, v5;
	v0 =	vmul.u32 $0xA, v0  }
0x19: {  	v8 =	vnsel vm13, $0x130, v8;
	v40 =	vnsel vm13, $0x131, v40;
	v42 =	vnsel vm13, $0x132, v42  }
0x1a: {  	v43 =	vnsel vm13, $0x133, v43;
	v44 =	vnsel vm13, $0x134, v44;
	v4 =	vor.u32 $0x1, v0  }
0x1b: {  	v45 =	vnsel vm13, $0x135, v45;
	v7 =	vmul.u32 $0xA, v3;
	v3 =	vadd.s32 $0x7, v0;
	[tilespmem:$0x1FEE0] =	vst v4  }
0x1c: {  	v25 =	vmul.u32 $0xA, v2;
	v2 =	vimm.s32 $0xBEB4AAA0;
	v4 =	vadd.s32 $0x2, v0;
	[tilespmem:$0x1FF40] =	vst v3  }
0x1d: {  	v5 =	vsel vm10, v41, v5;
	v59 =	vsel vm10, v55, v42;
	v3 =	vadd.s32 $0x8, v0;
	[tilespmem:$0x1FEF0] =	vst v4  }
0x1e: {  	v61 =	vand.u32 $0xFF, v47;
	v62 =	vand.u32 $0xFF, v48;
	v4 =	vadd.s32 $0x3, v0;
	[tilespmem:$0x1FF50] =	vst v3  }
0x1f: {  	v2 =	vunpack.c.0.s8.s32 v2;
	v41 =	vsel vm10, v61, v44;
	v3 =	vadd.s32 $0x9, v0;
	[tilespmem:$0x1FF00] =	vst v4  }
0x20: {  	v42 =	vsel vm10, v62, v45;
	v5 =	vsel vm12, $0xF3, v5;
	v4 =	vadd.s32 $0x4, v0;
	[tilespmem:$0x1FF60] =	vst v3  }
0x21: {  	v31 =	vor.u32 $0x1, v25;
	v32 =	vadd.s32 $0x2, v25;
	v3 =	vor.u32 $0x1, v7;
	[tilespmem:$0x1FF10] =	vst v4  }
0x22: {  	v33 =	vadd.s32 $0x3, v25;
	v34 =	vadd.s32 $0x4, v25;
	v4 =	vadd.s32 $0x5, v0;
	[tilespmem:$0x1FF70] =	vst v3  }
0x23: {  	v35 =	vadd.s32 $0x5, v25;
	v36 =	vadd.s32 $0x6, v25;
	v3 =	vadd.s32 $0x2, v7;
	[tilespmem:$0x1FF20] =	vst v4  }
0x24: {  	v37 =	vadd.s32 $0x7, v25;
	v38 =	vadd.s32 $0x8, v25;
	v4 =	vadd.s32 $0x6, v0;
	[tilespmem:$0x1FF80] =	vst v3  }
0x25: {  	v39 =	vadd.s32 $0x9, v25;
	v3 =	vadd.s32 s1, v1;
	[tilespmem:$0x1FF30] =	vst v4;
	v4 =	vadd.s32 $0x3, v7  }
0x26: {  	v41 =	vsel vm12, $0xF8, v41;
	v3 =	vand.u32 $0x1F, v3;
	[tilespmem:$0x1FF90] =	vst v4;
	v4 =	vadd.s32 $0x4, v7  }
0x27: {  	v42 =	vsel vm12, $0xF9, v42;
	v3 =	vmin.u32 v3, $0x1E;
	[tilespmem:$0x1FFA0] =	vst v4;
	v4 =	vadd.s32 $0x5, v7  }
0x28: {  	v5 =	vsel vm11, $0xFD, v5;
	v18 =	vmul.u32 $0xA, v3;
	v3 =	vadd.s32 $0x8, v7;
	[tilespmem:$0x1FFB0] =	vst v4  }
0x29: {  	v2 =	vand.u32 $0xFF, v2;
	v41 =	vsel vm11, $0x102, v41;
	[tilespmem:$0x1FFE0] =	vst v3;
	v3 =	vadd.s32 $0x9, v7  }
0x2a: {  	v42 =	vsel vm11, $0x103, v42;
	v4 =	vadd.s32 $0x6, v7;
	[tilespmem:$0x1FFF0] =	vst v3;
	v3 =	vimm.s32 $0xE6DCD2C8  }
0x2b: {  	v2 =	vnsel vm13, $0x12C, v2;
	[tilespmem:$0x1FFC0] =	vst v4;
	v4 =	vadd.s32 $0x7, v7;
	v3 =	vunpack.c.0.s8.s32 v3  }
0x2c: {  	v21 =	vor.u32 $0x1, v18;
	v22 =	vadd.s32 $0x2, v18;
	v23 =	vadd.s32 $0x3, v18  }
0x2d: {  	v24 =	vadd.s32 $0x4, v18;
	[tilespmem:$0x1FFD0] =	vst v4;
	v4 =	vimm.s32 $0xBFB5ABA1;
	v3 =	vand.u32 $0xFF, v3  }
0x2e: {  	v2 =	vsel vm10, v3, v2;
	v3 =	vunpack.c.0.s8.s32 v4;
	v4 =	vimm.s32 $0xC0B6ACA2  }
0x2f: {  	v26 =	vadd.s32 $0x5, v18;
	v27 =	vadd.s32 $0x6, v18;
	v4 =	vunpack.c.0.s8.s32 v4  }
0x30: {  	v28 =	vadd.s32 $0x7, v18;
	v29 =	vadd.s32 $0x8, v18;
	v30 =	vadd.s32 $0x9, v18  }
0x31: {  	v2 =	vsel vm12, $0xF0, v2;
	v3 =	vand.u32 $0xFF, v3;
	v4 =	vand.u32 $0xFF, v4  }
0x32: {  	v2 =	vsel vm11, $0xFA, v2;
	v3 =	vnsel vm13, $0x12D, v3;
	v4 =	vnsel vm13, $0x12E, v4  }
0x33: {  	vm13 =	vcmask $0x2B28;
	v3 =	vsel vm10, v6, v3;
	v6 =	vand.u32 $0xFF, v46  }
0x34: {  	v46 =	vunpack.c.0.s8.s32 v56;
	v4 =	vsel vm10, v9, v4;
	v6 =	vsel vm10, v6, v8  }
0x35: {  	v8 =	vsel vm10, v54, v40;
	v2 =	vsel vm13, $0x104, v2;
	v3 =	vsel vm12, $0xF1, v3  }
0x36: {  	v9 =	vsel vm12, $0xF6, v59;
	v5 =	vsel vm13, $0x107, v5;
	v41 =	vsel vm13, $0x10C, v41  }
0x37: {  	v42 =	vsel vm13, $0x10D, v42;
	v60 =	vand.u32 $0xFF, v46;
	v4 =	vsel vm12, $0xF2, v4  }
0x38: {  	v6 =	vsel vm12, $0xF4, v6;
	v8 =	vsel vm12, $0xF5, v8;
	v3 =	vsel vm11, $0xFB, v3  }
0x39: {  	v9 =	vsel vm11, $0x100, v9;
	v40 =	vsel vm10, v60, v43;
	vm10 =	vmmov $0x1  }
0x3a: {  	v4 =	vsel vm11, $0xFC, v4;
	v6 =	vsel vm11, $0xFE, v6;
	v8 =	vsel vm11, $0xFF, v8  }
0x3b: {  	v3 =	vsel vm13, $0x105, v3;
	v9 =	vsel vm13, $0x10A, v9;
	v40 =	vsel vm12, $0xF7, v40  }
0x3c: {  	vm12 =	vcmask $0x2F2C;
	v4 =	vsel vm13, $0x106, v4;
	v6 =	vsel vm13, $0x108, v6  }
0x3d: {  	v8 =	vsel vm13, $0x109, v8;
	v40 =	vsel vm11, $0x101, v40;
	vm11 =	vcmask $0x308  }
0x3e: {  	v2 =	vsel vm12, $0x10E, v2;
	v3 =	vsel vm12, $0x10F, v3;
	v4 =	vsel vm12, $0x110, v4  }
0x3f: {  	s6 =	rddreg [dreg:$0x0];
	v5 =	vsel vm12, $0x111, v5;
	v6 =	vsel vm12, $0x112, v6;
	v8 =	vsel vm12, $0x113, v8  }
0x40: {  	s4 =	rddreg [dreg:$0x1];
	v9 =	vsel vm12, $0x114, v9;
	v41 =	vsel vm12, $0x116, v41;
	v40 =	vsel vm13, $0x10B, v40  }
0x41: {  	s7 =	rddreg [dreg:$0x2];
	v42 =	vsel vm12, $0x117, v42;
	vm13 =	vcmask $0x3330;
	v40 =	vsel vm12, $0x115, v40  }
0x42: {  	s2 =	rddreg [dreg:$0x3];
	s3 =	simm.s32 $0x0;
	vm12 =	vcmask $0x70C;
	v2 =	vsel vm13, $0x118, v2;
	v3 =	vsel vm13, $0x119, v3  }
0x43: {  	s8 =	srdreg.scid;
	s12 =	simm.s32 $0x400;
	s13 =	simm.s32 $0x3;
	v4 =	vsel vm13, $0x11A, v4;
	v5 =	vsel vm13, $0x11B, v5;
	v6 =	vsel vm13, $0x11C, v6  }
0x44: {  	s14 =	simm.s32 $0x580;
	s15 =	simm.s32 $0x600;
	s16 =	simm.s32 $0x1;
	v8 =	vsel vm13, $0x11D, v8;
	v9 =	vsel vm13, $0x11E, v9;
	v49 =	vsel vm13, $0x120, v41  }
0x45: {  	s17 =	simm.s32 $0xA00;
	s18 =	simm.s32 $0xA80;
	s19 =	simm.s32 $0xB00;
	v50 =	vsel vm13, $0x121, v42;
	v63 =	vsel vm13, $0x11F, v40;
	vm13 =	vcmask $0x3734  }
0x46: {  	s20 =	simm.s32 $0xB80;
	s21 =	simm.s32 $0x2;
	s8 =	sand.u32 $0x1, s8;
	v40 =	vmul.u32 $0xA, v1;
	v41 =	vsel vm13, $0x122, v2;
	v42 =	vsel vm13, $0x123, v3  }
0x47: {  	[smem:$0x7FF] =	sst s3;
	s4 =	sadd.s32 $0xE00, s4;
	s9 =	ssub.s32 $0x2, s8;
	v43 =	vsel vm13, $0x124, v4;
	v44 =	vsel vm13, $0x125, v5;
	v45 =	vsel vm13, $0x126, v6  }
0x48: {  	s31 =	sshll.u32 s0, $0x6;
	s5 =	sor.u32 s8, s5;
	s10 =	sshrl.u32 s9, $0x1;
	v46 =	vsel vm13, $0x127, v8;
	v47 =	vsel vm13, $0x128, v9;
	v48 =	vsel vm13, $0x129, v63  }
0x49: {  	s8 =	sshll.u32 s5, $0x7;
	s30 =	sshll.u32 s5, $0x6;
	s11 =	ssub.s32 s9, s10;
	v49 =	vsel vm13, $0x12A, v49;
	v50 =	vsel vm13, $0x12B, v50;
	vm13 =	vcmask $0xB10  }
0x4a: {  	s5 =	sadd.s32 s6, s8;
	s6 =	sadd.s32 s7, s30;
	s7 =	sadd.s32 s31, s2;
	v51 =	vor.u32 $0x1, v40;
	v52 =	vadd.s32 $0x2, v40;
	v53 =	vadd.s32 $0x3, v40  }
0x4b: {  	s8 =	sadd.s32 $0x10, s6;
	s9 =	sadd.s32 $0x20, s6;
	s10 =	sadd.s32 $0x30, s6;
	v54 =	vadd.s32 $0x4, v40;
	v55 =	vadd.s32 $0x5, v40;
	v56 =	vadd.s32 $0x6, v40  }
0x4c: {  	s11 =	smax.u32 s11, $0x1;
	s1 =	rddreg [dreg:$0x4];
	_ =	strace $0x80000047;
	v57 =	vadd.s32 $0x7, v40;
	v58 =	vadd.s32 $0x8, v40;
	v59 =	vadd.s32 $0x9, v40  }
.LBB2_1:
0x4d: {  	[tilespmem:s3], [sflag:$0x1] =	stream.linear.gather [hbm4b:s5+s3], $0x400, $0x38;
	[tilespmem:$0xC40] =	vst v63  }
0x4e: {  	_ = 	snop  }
0x4f: {  	[tilespmem:s12], [sflag:$0x3] =	stream.linear.gather [hbm4b:s4+s3], $0x180, $0x38;
	[tilespmem:$0xC40] =	vst v63  }
0x50: {  	_ =	swait.ge [sflag:s13], $0x180  }
0x51: {  	[sflag:s13] =	ssyncset.done $0x0  }
0x52: {  	[sflag:s13] =	ssyncadd.s32 $0xFFFFFE80  }
0x53: {  	v1 =	vld [tilespmem:$0x530];
	_ =	sdelay $0x4  }
0x54: {  	v2 =	vsel vm0, $0x0, v1  }
0x55: {  	(xrf2) =	vadd.scan.msk.f32 $0xffff, v2;
	v2 =	vsel vm1, $0x0, v1  }
0x56: {  	v4 =	vld.idx.msk [tilespmem:v0+s12+$0x0], $0xffff;
	(xrf2) =	vadd.scan.msk.f32 $0xffff, v2;
	v2 =	vsel vm2, $0x0, v1  }
0x57: {  	(xrf2) =	vadd.scan.msk.f32 $0xffff, v2;
	v2 =	vld.idx.msk [tilespmem:v40+s12+$0x0], $0xffff  }
0x58: {  	v5 =	vld [tilespmem:$0x1FEE0];
	_ =	sdelay $0x3  }
0x59: {  	v2 =	vsub.f32 v2, v4;
	v4 =	vld [tilespmem:$0x1FEF0];
	_ =	sdelay $0x3  }
0x5a: {  	v3 =	vsel vm3, $0x0, v1;
	v5 =	vld.idx.msk [tilespmem:v5+s12+$0x0], $0xffff  }
0x5b: {  	(xrf2) =	vadd.scan.msk.f32 $0xffff, v3;
	v3 =	vld.idx.msk [tilespmem:v51+s12+$0x0], $0xffff  }
0x5c: {  	v6 =	vsel vm4, $0x0, v1  }
0x5d: {  	v8, _, _ =	vpop (xrf2);
	(xrf2) =	vadd.scan.msk.f32 $0xffff, v6;
	v6 =	vld.idx.msk [tilespmem:v52+s12+$0x0], $0xffff  }
0x5e: {  	v4 =	vld.idx.msk [tilespmem:v4+s12+$0x0], $0xffff;
	_ =	sdelay $0x1  }
0x5f: {  	v3 =	vsub.f32 v3, v5;
	v5 =	vld [tilespmem:$0x1FF00];
	_ =	sdelay $0x2  }
0x60: {  	v4 =	vsub.f32 v6, v4;
	v6 =	vld [tilespmem:$0x1FF10];
	_ =	sdelay $0x1  }
0x61: {  	v13 =	vld [tilespmem:$0x1FF20]  }
0x62: {  	v14 =	vld [tilespmem:$0x1FF30];
	v9 =	vsel vm5, $0x0, v1  }
0x63: {  	v60 =	vbroadcast v8, $0xF;
	v8, _, _ =	vpop (xrf2);
	(xrf2) =	vadd.scan.msk.f32 $0xffff, v9;
	v9 =	vld.idx.msk [tilespmem:v53+s12+$0x0], $0xffff  }
0x64: {  	v61 =	vbroadcast v8, $0xF;
	v5 =	vld.idx.msk [tilespmem:v5+s12+$0x0], $0xffff  }
0x65: {  	v15 =	vld [tilespmem:$0x1FF40];
	v8 =	vsel vm6, $0x0, v1;
	v62 =	vmul.f32 v2, v60  }
0x66: {  	v10 =	vld.idx.msk [tilespmem:v54+s12+$0x0], $0xffff;
	v63, _, _ =	vpop (xrf2);
	(xrf2) =	vadd.scan.msk.f32 $0xffff, v8;
	v8 =	vmul.f32 v3, v61  }
0x67: {  	v2 =	vmul.f32 v62, v2;
	v62 =	vbroadcast v63, $0xF;
	v63, _, _ =	vpop (xrf2);
	v6 =	vld.idx.msk [tilespmem:v6+s12+$0x0], $0xffff  }
0x68: {  	v3 =	vmul.f32 v8, v3;
	v8 =	vld.idx.msk [tilespmem:v55+s12+$0x0], $0xffff;
	v63 =	vbroadcast v63, $0xF  }
0x69: {  	v2 =	vadd.f32 $0.0e+00, v2;
	v5 =	vsub.f32 v9, v5;
	v9 =	vld.idx.msk [tilespmem:v13+s12+$0x0], $0xffff;
	v12 =	vmul.f32 v4, v62;
	_ =	sdelay $0x1  }
0x6a: {  	v2 =	vadd.f32 v3, v2;
	v3 =	vmul.f32 v12, v4;
	v4 =	vmul.f32 v5, v63;
	v12 =	vld.idx.msk [tilespmem:v56+s12+$0x0], $0xffff  }
0x6b: {  	v6 =	vsub.f32 v10, v6;
	v10 =	vld.idx.msk [tilespmem:v14+s12+$0x0], $0xffff  }
0x6c: {  	v4 =	vmul.f32 v4, v5;
	v5 =	vld.idx.msk [tilespmem:v57+s12+$0x0], $0xffff  }
0x6d: {  	v8 =	vsub.f32 v8, v9;
	v9 =	vld.idx.msk [tilespmem:v15+s12+$0x0], $0xffff  }
0x6e: {  	v11 =	vsel vm7, $0x0, v1  }
0x6f: {  	(xrf2) =	vadd.scan.msk.f32 $0xffff, v11;
	v11 =	vsel vm8, $0x0, v1  }
0x70: {  	v10 =	vsub.f32 v12, v10;
	v12 =	vld [tilespmem:$0x1FF50];
	_ =	sdelay $0x1  }
0x71: {  	(xrf2) =	vadd.scan.msk.f32 $0xffff, v11;
	v11, _, _ =	vpop (xrf2);
	v9 =	vsub.f32 v5, v9;
	v5 =	vld [tilespmem:$0x1FF60]  }
0x72: {  	v13 =	vsel vm9, $0x0, v1;
	v1 =	vbroadcast v11, $0xF  }
0x73: {  	v11, _, _ =	vpop (xrf2);
	(xrf2) =	vadd.scan.msk.f32 $0xffff, v13  }
0x74: {  	v3 =	vadd.f32 v3, v2;
	v2 =	vbroadcast v11, $0xF;
	v13 =	vmul.f32 v6, v1;
	_ =	sdelay $0x1  }
0x75: {  	v11, _, _ =	vpop (xrf2);
	v14 =	vld.idx.msk [tilespmem:v58+s12+$0x0], $0xffff;
	v6 =	vmul.f32 v13, v6;
	v13 =	vmul.f32 v8, v2  }
0x76: {  	v4 =	vadd.f32 v4, v3;
	v3 =	vbroadcast v11, $0xF;
	v11 =	vld.idx.msk [tilespmem:v12+s12+$0x0], $0xffff  }
0x77: {  	v8 =	vmul.f32 v13, v8;
	v13 =	vld.idx.msk [tilespmem:v59+s12+$0x0], $0xffff;
	v12, _, _ =	vpop (xrf2)  }
0x78: {  	v6 =	vadd.f32 v6, v4;
	v15 =	vmul.f32 v10, v3;
	v4 =	vbroadcast v12, $0xF;
	v12 =	vld.idx.msk [tilespmem:v5+s12+$0x0], $0xffff;
	_ =	sdelay $0x1  }
0x79: {  	v6 =	vadd.f32 v8, v6;
	v8 =	vmul.f32 v15, v10;
	v5, _, _ =	vpop (xrf2);
	v10 =	vmul.f32 v9, v4  }
0x7a: {  	v5 =	vbroadcast v5, $0xF;
	v11 =	vsub.f32 v14, v11  }
0x7b: {  	v8 =	vadd.f32 v8, v6;
	v14, _, _ =	vpop (xrf2);
	v9 =	vmul.f32 v10, v9  }
0x7c: {  	v12 =	vsub.f32 v13, v12;
	v6 =	vbroadcast v14, $0xF;
	v10 =	vmul.f32 v11, v5;
	_ =	sdelay $0x1  }
0x7d: {  	v8 =	vadd.f32 v9, v8;
	v13 =	vmul.f32 v12, v6;
	v15 =	vmul.f32 v10, v11;
	_ =	sdelay $0x1  }
0x7e: {  	v14 =	vmul.f32 v13, v12;
	v8 =	vadd.f32 v15, v8;
	_ =	sdelay $0x1  }
0x7f: {  	v8 =	vadd.f32 v14, v8;
	_ =	sdelay $0x1  }
0x80: {  	v9 =	vshra.s32 v8, $0x1;
	v10 =	vmul.f32 $5.000000000e-01, v8  }
0x81: {  	v9 =	vsub.s32 $0x5F3759DF, v9  }
0x82: {  	v15 =	vmul.f32 v9, v10;
	_ =	sdelay $0x1  }
0x83: {  	v11 =	vmul.f32 v9, v15;
	_ =	sdelay $0x1  }
0x84: {  	v12 =	vld [tilespmem:$0x540];
	v11 =	vsub.f32 $1.500000000e+00, v11;
	_ =	sdelay $0x1  }
0x85: {  	v9 =	vmul.f32 v9, v11;
	_ =	sdelay $0x1  }
0x86: {  	v11 =	vmul.f32 v9, v10  }
0x87: {  	v13 =	vnsel vm10, $0x0, v12  }
0x88: {  	(xrf2) =	vadd.scan.msk.f32 $0xffff, v13;
	v13 =	vsel vm11, $0x0, v12;
	v11 =	vmul.f32 v11, v9  }
0x89: {  	(xrf2) =	vadd.scan.msk.f32 $0xffff, v13;
	v13 =	vsel vm12, $0x0, v12  }
0x8a: {  	v12 =	vsel vm13, $0x0, v12;
	(xrf2) =	vadd.scan.msk.f32 $0xffff, v13;
	v11 =	vsub.f32 $1.500000000e+00, v11  }
0x8b: {  	(xrf2) =	vadd.scan.msk.f32 $0xffff, v12  }
0x8c: {  	v9 =	vmul.f32 v11, v9;
	_ =	sdelay $0x1  }
0x8d: {  	v10 =	vmul.f32 v9, v10;
	_ =	sdelay $0x1  }
0x8e: {  	v10 =	vmul.f32 v10, v9;
	_ =	sdelay $0x1  }
0x8f: {  	v11, _, _ =	vpop (xrf2);
	v10 =	vsub.f32 $1.500000000e+00, v10  }
0x90: {  	v12, _, _ =	vpop (xrf2)  }
0x91: {  	(v2sf) =	vpush v11, $0xF;
	v13, _, _ =	vpop (xrf2);
	v9 =	vmul.f32 v10, v9  }
0x92: {  	(v2sf) =	vpush v12, $0xF;
	v12, _, _ =	vpop (xrf2)  }
0x93: {  	(v2sf) =	vpush v12, $0xF;
	v8 =	vmul.f32 v9, v8;
	_ =	sdelay $0x1  }
0x94: {  	v8 =	vmul.f32 $-3.000000000e+00, v8;
	_ =	sdelay $0x1  }
0x95: {  	v8 =	vmul.f32 $1.442695020e+00, v8;
	_ =	sdelay $0x1  }
0x96: {  	(erf) = vpow2.f32 v8;
	_ =	sdelay $0x6  }
0x97: {  	s23 =	spop (v2sf)  }
0x98: {  	v8 =	vbroadcast v13, $0xF;
	s24 =	spop (v2sf)  }
0x99: {  	s22 =	spop (v2sf);
	v13 =	vpop (erf)  }
0x9a: {  	s22 =	ssub.f32 $0.0e+00, s22;
	v9 =	vsub.f32 v13, v8;
	_ =	sdelay $0x1  }
0x9b: {  	v9 =	vmul.f32 s22, v9;
	_ =	sdelay $0x1  }
0x9c: {  	v9 =	vmul.f32 $1.442695020e+00, v9;
	_ =	sdelay $0x1  }
0x9d: {  	(erf) = vpow2.f32 v9;
	_ =	sdelay $0x8  }
0x9e: {  	v9 =	vpop (erf)  }
0x9f: {  	v9 =	vadd.f32 $1.000000000e+00, v9;
	_ =	sdelay $0x1  }
0xa0: {  	(erf) = vrcp.f32 v9;
	_ =	sdelay $0x7  }
0xa1: {  	s23 =	ssub.f32 s24, s23  }
0xa2: {  	v9 =	vpop (erf)  }
0xa3: {  	v14 =	vmul.f32 s23, v9;
	v9 =	vbroadcast v11, $0xF;
	_ =	sdelay $0x1  }
0xa4: {  	v10 =	vadd.f32 v14, v9  }
0xa5: {  	v15 =	vld [tilespmem:$0x1FF80]  }
0xa6: {  	v17 =	vld [tilespmem:$0x1FF90];
	[tilespmem:$0x580] =	vst v10  }
0xa7: {  	v10 =	vld.idx.msk [tilespmem:v41+s12+$0x0], $0xffff  }
0xa8: {  	v11 =	vld.idx.msk [tilespmem:v7+s12+$0x0], $0xffff;
	_ =	sdelay $0x2  }
0xa9: {  	v13 =	vld [tilespmem:$0x1FF70]  }
0xaa: {  	v14 =	vld.idx.msk [tilespmem:v43+s12+$0x0], $0xffff  }
0xab: {  	v10 =	vsub.f32 v10, v11;
	v11 =	vld.idx.msk [tilespmem:v15+s12+$0x0], $0xffff  }
0xac: {  	v17 =	vld.idx.msk [tilespmem:v17+s12+$0x0], $0xffff  }
0xad: {  	v15 =	vld.idx.msk [tilespmem:v44+s12+$0x0], $0xffff;
	_ =	sdelay $0x1  }
0xae: {  	v12 =	vld.idx.msk [tilespmem:v42+s12+$0x0], $0xffff  }
0xaf: {  	v11 =	vsub.f32 v14, v11;
	v14 =	vld [tilespmem:$0x1FFA0]  }
0xb0: {  	v13 =	vld.idx.msk [tilespmem:v13+s12+$0x0], $0xffff  }
0xb1: {  	v15 =	vsub.f32 v15, v17;
	v17 =	vld [tilespmem:$0x1FFB0];
	_ =	sdelay $0x3  }
0xb2: {  	v12 =	vsub.f32 v12, v13;
	v16 =	vmul.f32 v10, v60  }
0xb3: {  	v13 =	vld.idx.msk [tilespmem:v45+s12+$0x0], $0xffff  }
0xb4: {  	v10 =	vmul.f32 v16, v10;
	v16 =	vmul.f32 v12, v61;
	v14 =	vld.idx.msk [tilespmem:v14+s12+$0x0], $0xffff  }
0xb5: {  	v19 =	vld.idx.msk [tilespmem:v46+s12+$0x0], $0xffff  }
0xb6: {  	v10 =	vadd.f32 $0.0e+00, v10;
	v12 =	vmul.f32 v16, v12;
	v16 =	vmul.f32 v11, v62;
	v17 =	vld.idx.msk [tilespmem:v17+s12+$0x0], $0xffff;
	_ =	sdelay $0x1  }
0xb7: {  	v10 =	vadd.f32 v12, v10;
	v11 =	vmul.f32 v16, v11;
	v16 =	vld [tilespmem:$0x1FFC0]  }
0xb8: {  	v12 =	vmul.f32 v15, v63;
	v13 =	vsub.f32 v13, v14  }
0xb9: {  	v10 =	vadd.f32 v11, v10  }
0xba: {  	v11 =	vmul.f32 v12, v15;
	v15 =	vsub.f32 v19, v17;
	v17 =	vld [tilespmem:$0x1FFD0];
	v14 =	vmul.f32 v13, v1;
	_ =	sdelay $0x1  }
0xbb: {  	v10 =	vadd.f32 v11, v10;
	v19 =	vld [tilespmem:$0x1FFE0];
	v13 =	vmul.f32 v14, v13;
	v14 =	vmul.f32 v15, v2  }
0xbc: {  	v20 =	vld.idx.msk [tilespmem:v47+s12+$0x0], $0xffff  }
0xbd: {  	v10 =	vadd.f32 v13, v10;
	v13 =	vmul.f32 v14, v15;
	v15 =	vld [tilespmem:$0x1FFF0]  }
0xbe: {  	v16 =	vld.idx.msk [tilespmem:v16+s12+$0x0], $0xffff;
	_ =	sdelay $0x1  }
0xbf: {  	v12 =	vld.idx.msk [tilespmem:v48+s12+$0x0], $0xffff  }
0xc0: {  	v17 =	vld.idx.msk [tilespmem:v17+s12+$0x0], $0xffff  }
0xc1: {  	v11 =	vld.idx.msk [tilespmem:v49+s12+$0x0], $0xffff  }
0xc2: {  	v16 =	vsub.f32 v20, v16;
	v19 =	vld.idx.msk [tilespmem:v19+s12+$0x0], $0xffff  }
0xc3: {  	v20 =	vld.idx.msk [tilespmem:v50+s12+$0x0], $0xffff  }
0xc4: {  	v14 =	vmul.f32 v16, v3;
	v15 =	vld.idx.msk [tilespmem:v15+s12+$0x0], $0xffff  }
0xc5: {  	v12 =	vsub.f32 v12, v17  }
0xc6: {  	v10 =	vadd.f32 v13, v10;
	v13 =	vmul.f32 v14, v16  }
0xc7: {  	v11 =	vsub.f32 v11, v19;
	v14 =	vmul.f32 v12, v4  }
0xc8: {  	v10 =	vadd.f32 v13, v10  }
0xc9: {  	v13 =	vmul.f32 v11, v5;
	v12 =	vmul.f32 v14, v12;
	v14 =	vsub.f32 v20, v15;
	_ =	sdelay $0x1  }
0xca: {  	v11 =	vmul.f32 v13, v11;
	v10 =	vadd.f32 v12, v10;
	v12 =	vmul.f32 v14, v6;
	_ =	sdelay $0x1  }
0xcb: {  	v10 =	vadd.f32 v11, v10;
	v14 =	vmul.f32 v12, v14;
	_ =	sdelay $0x1  }
0xcc: {  	v10 =	vadd.f32 v14, v10;
	_ =	sdelay $0x1  }
0xcd: {  	v11 =	vshra.s32 v10, $0x1;
	v12 =	vmul.f32 $5.000000000e-01, v10  }
0xce: {  	v11 =	vsub.s32 $0x5F3759DF, v11  }
0xcf: {  	v13 =	vmul.f32 v11, v12;
	_ =	sdelay $0x1  }
0xd0: {  	v13 =	vmul.f32 v11, v13;
	_ =	sdelay $0x1  }
0xd1: {  	v13 =	vsub.f32 $1.500000000e+00, v13;
	_ =	sdelay $0x1  }
0xd2: {  	v11 =	vmul.f32 v11, v13;
	_ =	sdelay $0x1  }
0xd3: {  	v13 =	vmul.f32 v11, v12;
	_ =	sdelay $0x1  }
0xd4: {  	v13 =	vmul.f32 v13, v11;
	_ =	sdelay $0x1  }
0xd5: {  	v13 =	vsub.f32 $1.500000000e+00, v13;
	_ =	sdelay $0x1  }
0xd6: {  	v11 =	vmul.f32 v13, v11;
	_ =	sdelay $0x1  }
0xd7: {  	v12 =	vmul.f32 v11, v12;
	_ =	sdelay $0x1  }
0xd8: {  	v12 =	vmul.f32 v12, v11;
	_ =	sdelay $0x1  }
0xd9: {  	v12 =	vsub.f32 $1.500000000e+00, v12;
	_ =	sdelay $0x1  }
0xda: {  	v11 =	vmul.f32 v12, v11;
	_ =	sdelay $0x1  }
0xdb: {  	v10 =	vmul.f32 v11, v10;
	_ =	sdelay $0x1  }
0xdc: {  	v10 =	vmul.f32 $-3.000000000e+00, v10;
	_ =	sdelay $0x1  }
0xdd: {  	v10 =	vmul.f32 $1.442695020e+00, v10;
	_ =	sdelay $0x1  }
0xde: {  	(erf) = vpow2.f32 v10;
	_ =	sdelay $0x8  }
0xdf: {  	v10 =	vpop (erf)  }
0xe0: {  	v10 =	vsub.f32 v10, v8;
	_ =	sdelay $0x1  }
0xe1: {  	v10 =	vmul.f32 s22, v10;
	_ =	sdelay $0x1  }
0xe2: {  	v10 =	vmul.f32 $1.442695020e+00, v10;
	_ =	sdelay $0x1  }
0xe3: {  	(erf) = vpow2.f32 v10;
	_ =	sdelay $0x8  }
0xe4: {  	v10 =	vpop (erf)  }
0xe5: {  	v10 =	vadd.f32 $1.000000000e+00, v10;
	_ =	sdelay $0x1  }
0xe6: {  	(erf) = vrcp.f32 v10;
	_ =	sdelay $0x8  }
0xe7: {  	v10 =	vpop (erf)  }
0xe8: {  	v10 =	vmul.f32 s23, v10;
	_ =	sdelay $0x1  }
0xe9: {  	v10 =	vadd.f32 v10, v9;
	_ =	sdelay $0x1  }
0xea: {  	[tilespmem:$0x590] =	vst v10  }
0xeb: {  	v10 =	vld.idx.msk [tilespmem:v40+s12+$0x0], $0xffff  }
0xec: {  	v11 =	vld.idx.msk [tilespmem:v18+s12+$0x0], $0xffff  }
0xed: {  	v12 =	vld.idx.msk [tilespmem:v51+s12+$0x0], $0xffff  }
0xee: {  	v13 =	vld.idx.msk [tilespmem:v21+s12+$0x0], $0xffff  }
0xef: {  	v14 =	vld.idx.msk [tilespmem:v52+s12+$0x0], $0xffff  }
0xf0: {  	v15 =	vld.idx.msk [tilespmem:v53+s12+$0x0], $0xffff  }
0xf1: {  	v10 =	vsub.f32 v10, v11;
	v11 =	vld.idx.msk [tilespmem:v22+s12+$0x0], $0xffff  }
0xf2: {  	v17 =	vld.idx.msk [tilespmem:v23+s12+$0x0], $0xffff;
	_ =	sdelay $0x1  }
0xf3: {  	v12 =	vsub.f32 v12, v13;
	v16 =	vmul.f32 v10, v60  }
0xf4: {  	v13 =	vld.idx.msk [tilespmem:v54+s12+$0x0], $0xffff  }
0xf5: {  	v10 =	vmul.f32 v16, v10;
	v16 =	vmul.f32 v12, v61;
	v11 =	vsub.f32 v14, v11;
	v14 =	vld.idx.msk [tilespmem:v24+s12+$0x0], $0xffff  }
0xf6: {  	v19 =	vld.idx.msk [tilespmem:v55+s12+$0x0], $0xffff;
	v15 =	vsub.f32 v15, v17  }
0xf7: {  	v17 =	vld.idx.msk [tilespmem:v26+s12+$0x0], $0xffff;
	v10 =	vadd.f32 $0.0e+00, v10;
	v12 =	vmul.f32 v16, v12;
	v16 =	vmul.f32 v11, v62  }
0xf8: {  	v20 =	vld.idx.msk [tilespmem:v56+s12+$0x0], $0xffff  }
0xf9: {  	v10 =	vadd.f32 v12, v10;
	v12 =	vmul.f32 v15, v63;
	v11 =	vmul.f32 v16, v11;
	v16 =	vld.idx.msk [tilespmem:v27+s12+$0x0], $0xffff  }
0xfa: {  	v13 =	vsub.f32 v13, v14  }
0xfb: {  	v10 =	vadd.f32 v11, v10;
	v11 =	vmul.f32 v12, v15;
	v12 =	vld.idx.msk [tilespmem:v57+s12+$0x0], $0xffff  }
0xfc: {  	v15 =	vsub.f32 v19, v17;
	v17 =	vld.idx.msk [tilespmem:v28+s12+$0x0], $0xffff;
	v14 =	vmul.f32 v13, v1  }
0xfd: {  	v19 =	vld.idx.msk [tilespmem:v29+s12+$0x0], $0xffff;
	v10 =	vadd.f32 v11, v10  }
0xfe: {  	v11 =	vld.idx.msk [tilespmem:v58+s12+$0x0], $0xffff;
	v13 =	vmul.f32 v14, v13;
	v14 =	vmul.f32 v15, v2;
	v16 =	vsub.f32 v20, v16  }
0xff: {  	v20 =	vld.idx.msk [tilespmem:v59+s12+$0x0], $0xffff  }
0x100: {  	v10 =	vadd.f32 v13, v10;
	v13 =	vmul.f32 v14, v15;
	v14 =	vmul.f32 v16, v3;
	v15 =	vld.idx.msk [tilespmem:v30+s12+$0x0], $0xffff  }
0x101: {  	v12 =	vsub.f32 v12, v17  }
0x102: {  	v10 =	vadd.f32 v13, v10;
	v13 =	vmul.f32 v14, v16  }
0x103: {  	v11 =	vsub.f32 v11, v19;
	v14 =	vmul.f32 v12, v4  }
0x104: {  	v10 =	vadd.f32 v13, v10  }
0x105: {  	v12 =	vmul.f32 v14, v12;
	v13 =	vmul.f32 v11, v5;
	v14 =	vsub.f32 v20, v15;
	_ =	sdelay $0x1  }
0x106: {  	v10 =	vadd.f32 v12, v10;
	v11 =	vmul.f32 v13, v11;
	v12 =	vmul.f32 v14, v6;
	_ =	sdelay $0x1  }
0x107: {  	v10 =	vadd.f32 v11, v10;
	v15 =	vmul.f32 v12, v14;
	_ =	sdelay $0x1  }
0x108: {  	v10 =	vadd.f32 v15, v10;
	_ =	sdelay $0x1  }
0x109: {  	v11 =	vshra.s32 v10, $0x1;
	v12 =	vmul.f32 $5.000000000e-01, v10  }
0x10a: {  	v11 =	vsub.s32 $0x5F3759DF, v11  }
0x10b: {  	v13 =	vmul.f32 v11, v12;
	_ =	sdelay $0x1  }
0x10c: {  	v13 =	vmul.f32 v11, v13;
	_ =	sdelay $0x1  }
0x10d: {  	v13 =	vsub.f32 $1.500000000e+00, v13;
	_ =	sdelay $0x1  }
0x10e: {  	v11 =	vmul.f32 v11, v13;
	_ =	sdelay $0x1  }
0x10f: {  	v13 =	vmul.f32 v11, v12;
	_ =	sdelay $0x1  }
0x110: {  	v13 =	vmul.f32 v13, v11;
	_ =	sdelay $0x1  }
0x111: {  	v13 =	vsub.f32 $1.500000000e+00, v13;
	_ =	sdelay $0x1  }
0x112: {  	v11 =	vmul.f32 v13, v11;
	_ =	sdelay $0x1  }
0x113: {  	v12 =	vmul.f32 v11, v12;
	_ =	sdelay $0x1  }
0x114: {  	v12 =	vmul.f32 v12, v11;
	_ =	sdelay $0x1  }
0x115: {  	v12 =	vsub.f32 $1.500000000e+00, v12;
	_ =	sdelay $0x1  }
0x116: {  	v11 =	vmul.f32 v12, v11;
	_ =	sdelay $0x1  }
0x117: {  	v10 =	vmul.f32 v11, v10;
	_ =	sdelay $0x1  }
0x118: {  	v10 =	vmul.f32 $-3.000000000e+00, v10;
	_ =	sdelay $0x1  }
0x119: {  	v10 =	vmul.f32 $1.442695020e+00, v10;
	_ =	sdelay $0x1  }
0x11a: {  	(erf) = vpow2.f32 v10;
	_ =	sdelay $0x8  }
0x11b: {  	v10 =	vpop (erf)  }
0x11c: {  	v10 =	vsub.f32 v10, v8;
	_ =	sdelay $0x1  }
0x11d: {  	v10 =	vmul.f32 s22, v10;
	_ =	sdelay $0x1  }
0x11e: {  	v10 =	vmul.f32 $1.442695020e+00, v10;
	_ =	sdelay $0x1  }
0x11f: {  	(erf) = vpow2.f32 v10;
	_ =	sdelay $0x8  }
0x120: {  	v10 =	vpop (erf)  }
0x121: {  	v10 =	vadd.f32 $1.000000000e+00, v10;
	_ =	sdelay $0x1  }
0x122: {  	(erf) = vrcp.f32 v10;
	_ =	sdelay $0x8  }
0x123: {  	v10 =	vpop (erf)  }
0x124: {  	v10 =	vmul.f32 s23, v10;
	_ =	sdelay $0x1  }
0x125: {  	v10 =	vadd.f32 v10, v9;
	_ =	sdelay $0x1  }
0x126: {  	[tilespmem:$0x5A0] =	vst v10  }
0x127: {  	v10 =	vld.idx.msk [tilespmem:v41+s12+$0x0], $0xffff  }
0x128: {  	v11 =	vld.idx.msk [tilespmem:v25+s12+$0x0], $0xffff  }
0x129: {  	v12 =	vld.idx.msk [tilespmem:v42+s12+$0x0], $0xffff  }
0x12a: {  	v13 =	vld.idx.msk [tilespmem:v31+s12+$0x0], $0xffff  }
0x12b: {  	v14 =	vld.idx.msk [tilespmem:v43+s12+$0x0], $0xffff  }
0x12c: {  	v15 =	vld.idx.msk [tilespmem:v44+s12+$0x0], $0xffff  }
0x12d: {  	v10 =	vsub.f32 v10, v11;
	v11 =	vld.idx.msk [tilespmem:v32+s12+$0x0], $0xffff  }
0x12e: {  	v17 =	vld.idx.msk [tilespmem:v33+s12+$0x0], $0xffff;
	_ =	sdelay $0x1  }
0x12f: {  	v19 =	vld.idx.msk [tilespmem:v46+s12+$0x0], $0xffff;
	v12 =	vsub.f32 v12, v13;
	v16 =	vmul.f32 v10, v60  }
0x130: {  	v13 =	vld.idx.msk [tilespmem:v45+s12+$0x0], $0xffff  }
0x131: {  	v60 =	vld.idx.msk [tilespmem:v34+s12+$0x0], $0xffff;
	v10 =	vmul.f32 v16, v10;
	v16 =	vmul.f32 v12, v61;
	v11 =	vsub.f32 v14, v11  }
0x132: {  	v15 =	vsub.f32 v15, v17;
	v17 =	vld.idx.msk [tilespmem:v35+s12+$0x0], $0xffff  }
0x133: {  	v12 =	vmul.f32 v16, v12;
	v16 =	vmul.f32 v11, v62  }
0x134: {  	v20 =	vld.idx.msk [tilespmem:v47+s12+$0x0], $0xffff;
	v10 =	vadd.f32 $0.0e+00, v10  }
0x135: {  	v11 =	vmul.f32 v16, v11;
	v16 =	vld.idx.msk [tilespmem:v36+s12+$0x0], $0xffff  }
0x136: {  	v61 =	vmul.f32 v15, v63;
	v13 =	vsub.f32 v13, v60;
	v10 =	vadd.f32 v12, v10  }
0x137: {  	v63 =	vsub.f32 v19, v17;
	v60 =	vld.idx.msk [tilespmem:v37+s12+$0x0], $0xffff  }
0x138: {  	v62 =	vmul.f32 v61, v15;
	v12 =	vld.idx.msk [tilespmem:v48+s12+$0x0], $0xffff;
	v1 =	vmul.f32 v13, v1;
	v10 =	vadd.f32 v11, v10  }
0x139: {  	v61 =	vld.idx.msk [tilespmem:v49+s12+$0x0], $0xffff;
	v2 =	vmul.f32 v63, v2  }
0x13a: {  	v1 =	vmul.f32 v1, v13;
	v10 =	vadd.f32 v62, v10;
	v62 =	vsub.f32 v20, v16;
	v16 =	vld.idx.msk [tilespmem:v38+s12+$0x0], $0xffff  }
0x13b: {  	v17 =	vld.idx.msk [tilespmem:v50+s12+$0x0], $0xffff  }
0x13c: {  	v2 =	vmul.f32 v2, v63;
	v63 =	vld.idx.msk [tilespmem:v39+s12+$0x0], $0xffff;
	v1 =	vadd.f32 v1, v10;
	v3 =	vmul.f32 v62, v3  }
0x13d: {  	v12 =	vsub.f32 v12, v60  }
0x13e: {  	v1 =	vadd.f32 v2, v1;
	v2 =	vmul.f32 v3, v62  }
0x13f: {  	v4 =	vmul.f32 v12, v4;
	v3 =	vsub.f32 v61, v16  }
0x140: {  	v1 =	vadd.f32 v2, v1  }
0x141: {  	v2 =	vmul.f32 v4, v12;
	v4 =	vsub.f32 v17, v63;
	v5 =	vmul.f32 v3, v5;
	_ =	sdelay $0x1  }
0x142: {  	v1 =	vadd.f32 v2, v1;
	v2 =	vmul.f32 v5, v3;
	v3 =	vmul.f32 v4, v6;
	_ =	sdelay $0x1  }
0x143: {  	v1 =	vadd.f32 v2, v1;
	v2 =	vmul.f32 v3, v4;
	_ =	sdelay $0x1  }
0x144: {  	v1 =	vadd.f32 v2, v1;
	_ =	sdelay $0x1  }
0x145: {  	v2 =	vshra.s32 v1, $0x1;
	v3 =	vmul.f32 $5.000000000e-01, v1  }
0x146: {  	v2 =	vsub.s32 $0x5F3759DF, v2  }
0x147: {  	v4 =	vmul.f32 v2, v3;
	_ =	sdelay $0x1  }
0x148: {  	v4 =	vmul.f32 v2, v4;
	_ =	sdelay $0x1  }
0x149: {  	v4 =	vsub.f32 $1.500000000e+00, v4;
	_ =	sdelay $0x1  }
0x14a: {  	v2 =	vmul.f32 v2, v4;
	_ =	sdelay $0x1  }
0x14b: {  	v4 =	vmul.f32 v2, v3;
	_ =	sdelay $0x1  }
0x14c: {  	v4 =	vmul.f32 v4, v2;
	_ =	sdelay $0x1  }
0x14d: {  	v4 =	vsub.f32 $1.500000000e+00, v4;
	_ =	sdelay $0x1  }
0x14e: {  	v2 =	vmul.f32 v4, v2;
	_ =	sdelay $0x1  }
0x14f: {  	v3 =	vmul.f32 v2, v3;
	_ =	sdelay $0x1  }
0x150: {  	v3 =	vmul.f32 v3, v2;
	_ =	sdelay $0x1  }
0x151: {  	v3 =	vsub.f32 $1.500000000e+00, v3;
	_ =	sdelay $0x1  }
0x152: {  	v2 =	vmul.f32 v3, v2;
	_ =	sdelay $0x1  }
0x153: {  	v1 =	vmul.f32 v2, v1;
	_ =	sdelay $0x1  }
0x154: {  	v1 =	vmul.f32 $-3.000000000e+00, v1;
	_ =	sdelay $0x1  }
0x155: {  	v1 =	vmul.f32 $1.442695020e+00, v1;
	_ =	sdelay $0x1  }
0x156: {  	(erf) = vpow2.f32 v1;
	_ =	sdelay $0x8  }
0x157: {  	v1 =	vpop (erf)  }
0x158: {  	v1 =	vsub.f32 v1, v8;
	_ =	sdelay $0x1  }
0x159: {  	v1 =	vmul.f32 s22, v1;
	_ =	sdelay $0x1  }
0x15a: {  	v1 =	vmul.f32 $1.442695020e+00, v1;
	_ =	sdelay $0x1  }
0x15b: {  	(erf) = vpow2.f32 v1;
	_ =	sdelay $0x8  }
0x15c: {  	v1 =	vpop (erf)  }
0x15d: {  	v1 =	vadd.f32 $1.000000000e+00, v1;
	_ =	sdelay $0x1  }
0x15e: {  	(erf) = vrcp.f32 v1;
	_ =	sdelay $0x8  }
0x15f: {  	v1 =	vpop (erf)  }
0x160: {  	v1 =	vmul.f32 s23, v1;
	_ =	sdelay $0x1  }
0x161: {  	v1 =	vadd.f32 v1, v9;
	_ =	sdelay $0x1  }
0x162: {  	[tilespmem:$0x5B0] =	vst v1  }
0x163: {  	[spmem:s7] =	stream.linear.scatter [tilespmem:s14], [sflag:$0x3], $0x40, $0x38;
	[tilespmem:$0xC40] =	vst v63  }
0x164: {  	_ =	swait.ge [sflag:s13], $0x40  }
0x165: {  	[sflag:s13] =	ssyncset.done $0x0  }
0x166: {  	[sflag:s13] =	ssyncadd.s32 $0xFFFFFFC0  }
0x167: {  	[bflag:$0x0] =	sbarrier.arrive $0xFFFF  }
0x168: {  	[tilespmem:s15], [sflag:$0x3] =	stream.linear.gather [spmem:s2], $0x400, $0x38;
	[tilespmem:$0xC40] =	vst v63  }
0x169: {  	_ =	swait.ge [sflag:s13], $0x400  }
0x16a: {  	[sflag:s13] =	ssyncset.done $0x0  }
0x16b: {  	[sflag:s13] =	ssyncadd.s32 $0xFFFFFC00  }
0x16c: {  	_ =	swait.ge [sflag:s16], $0x400  }
0x16d: {  	[sflag:s16] =	ssyncset.done $0x0  }
0x16e: {  	[sflag:s16] =	ssyncadd.s32 $0xFFFFFC00  }
0x16f: {  	v1 =	vld [tilespmem:$0x0]  }
0x170: {  	v2 =	vld [tilespmem:$0x80];
	_ =	sdelay $0x4  }
0x171: {  	v3 =	vld [tilespmem:$0x10];
	v2 =	vsub.s32 v2, v1  }
0x172: {  	v4 =	vld [tilespmem:$0x90];
	v2 =	vshll.u32 v2, $0x5  }
0x173: {  	v2 =	vand.u32 $0x3E0, v2  }
0x174: {  	v1 =	vadd.s32 v1, v2;
	_ =	sdelay $0x2  }
0x175: {  	v5 =	vld [tilespmem:$0xA0];
	v2 =	vsub.s32 v4, v3  }
0x176: {  	v4 =	vld [tilespmem:$0x20];
	v2 =	vshll.u32 v2, $0x5  }
0x177: {  	v2 =	vand.u32 $0x3E0, v2;
	v1 =	vld.idx.msk [tilespmem:v1+s15+$0x0], $0xffff  }
0x178: {  	v2 =	vadd.s32 v3, v2;
	_ =	sdelay $0x2  }
0x179: {  	v3 =	vsub.s32 v5, v4;
	v5 =	vld [tilespmem:$0x30]  }
0x17a: {  	[tilespmem:$0xA00] =	vst v1;
	v1 =	vshll.u32 v3, $0x5;
	v3 =	vld [tilespmem:$0xB0]  }
0x17b: {  	v2 =	vld.idx.msk [tilespmem:v2+s15+$0x0], $0xffff;
	v1 =	vand.u32 $0x3E0, v1  }
0x17c: {  	v1 =	vadd.s32 v4, v1;
	_ =	sdelay $0x2  }
0x17d: {  	v4 =	vld [tilespmem:$0x40];
	v3 =	vsub.s32 v3, v5  }
0x17e: {  	[tilespmem:$0xA10] =	vst v2;
	v2 =	vshll.u32 v3, $0x5;
	v3 =	vld [tilespmem:$0xC0]  }
0x17f: {  	v1 =	vld.idx.msk [tilespmem:v1+s15+$0x0], $0xffff;
	v2 =	vand.u32 $0x3E0, v2  }
0x180: {  	v2 =	vadd.s32 v5, v2;
	_ =	sdelay $0x2  }
0x181: {  	v5 =	vld [tilespmem:$0x50];
	v3 =	vsub.s32 v3, v4  }
0x182: {  	[tilespmem:$0xA20] =	vst v1;
	v1 =	vshll.u32 v3, $0x5;
	v3 =	vld [tilespmem:$0xD0]  }
0x183: {  	v2 =	vld.idx.msk [tilespmem:v2+s15+$0x0], $0xffff;
	v1 =	vand.u32 $0x3E0, v1  }
0x184: {  	v1 =	vadd.s32 v4, v1;
	_ =	sdelay $0x2  }
0x185: {  	v4 =	vld [tilespmem:$0x60];
	v3 =	vsub.s32 v3, v5  }
0x186: {  	[tilespmem:$0xA30] =	vst v2;
	v2 =	vshll.u32 v3, $0x5;
	v3 =	vld [tilespmem:$0xE0]  }
0x187: {  	v1 =	vld.idx.msk [tilespmem:v1+s15+$0x0], $0xffff;
	v2 =	vand.u32 $0x3E0, v2  }
0x188: {  	v2 =	vadd.s32 v5, v2;
	_ =	sdelay $0x2  }
0x189: {  	v5 =	vld [tilespmem:$0x70];
	v3 =	vsub.s32 v3, v4  }
0x18a: {  	[tilespmem:$0xA40] =	vst v1;
	v1 =	vshll.u32 v3, $0x5;
	v3 =	vld [tilespmem:$0xF0]  }
0x18b: {  	v2 =	vld.idx.msk [tilespmem:v2+s15+$0x0], $0xffff;
	v1 =	vand.u32 $0x3E0, v1  }
0x18c: {  	v1 =	vadd.s32 v4, v1;
	_ =	sdelay $0x2  }
0x18d: {  	v3 =	vsub.s32 v3, v5  }
0x18e: {  	[tilespmem:$0xA50] =	vst v2;
	v2 =	vshll.u32 v3, $0x5  }
0x18f: {  	v1 =	vld.idx.msk [tilespmem:v1+s15+$0x0], $0xffff;
	v2 =	vand.u32 $0x3E0, v2  }
0x190: {  	v2 =	vadd.s32 v5, v2;
	_ =	sdelay $0x3  }
0x191: {  	[tilespmem:$0xA60] =	vst v1  }
0x192: {  	v1 =	vld.idx.msk [tilespmem:v2+s15+$0x0], $0xffff;
	_ =	sdelay $0x4  }
0x193: {  	[tilespmem:$0xA70] =	vst v1  }
0x194: {  	[hbm4b:s6+s3] =	stream.linear.scatter [tilespmem:s17], [sflag:$0x2], $0x80, $0x38;
	[tilespmem:$0xC40] =	vst v63  }
0x195: {  	v1 =	vld [tilespmem:$0x100]  }
0x196: {  	v2 =	vld [tilespmem:$0x180];
	_ =	sdelay $0x4  }
0x197: {  	v3 =	vld [tilespmem:$0x110];
	v2 =	vsub.s32 v2, v1  }
0x198: {  	v4 =	vld [tilespmem:$0x190];
	v2 =	vshll.u32 v2, $0x5  }
0x199: {  	v2 =	vand.u32 $0x3E0, v2  }
0x19a: {  	v1 =	vadd.s32 v1, v2;
	_ =	sdelay $0x2  }
0x19b: {  	v5 =	vld [tilespmem:$0x1A0];
	v2 =	vsub.s32 v4, v3  }
0x19c: {  	v4 =	vld [tilespmem:$0x120];
	v2 =	vshll.u32 v2, $0x5  }
0x19d: {  	v2 =	vand.u32 $0x3E0, v2;
	v1 =	vld.idx.msk [tilespmem:v1+s15+$0x0], $0xffff  }
0x19e: {  	v2 =	vadd.s32 v3, v2;
	_ =	sdelay $0x2  }
0x19f: {  	v3 =	vsub.s32 v5, v4;
	v5 =	vld [tilespmem:$0x130]  }
0x1a0: {  	[tilespmem:$0xA80] =	vst v1;
	v1 =	vshll.u32 v3, $0x5;
	v3 =	vld [tilespmem:$0x1B0]  }
0x1a1: {  	v2 =	vld.idx.msk [tilespmem:v2+s15+$0x0], $0xffff;
	v1 =	vand.u32 $0x3E0, v1  }
0x1a2: {  	v1 =	vadd.s32 v4, v1;
	_ =	sdelay $0x2  }
0x1a3: {  	v4 =	vld [tilespmem:$0x140];
	v3 =	vsub.s32 v3, v5  }
0x1a4: {  	[tilespmem:$0xA90] =	vst v2;
	v2 =	vshll.u32 v3, $0x5;
	v3 =	vld [tilespmem:$0x1C0]  }
0x1a5: {  	v1 =	vld.idx.msk [tilespmem:v1+s15+$0x0], $0xffff;
	v2 =	vand.u32 $0x3E0, v2  }
0x1a6: {  	v2 =	vadd.s32 v5, v2;
	_ =	sdelay $0x2  }
0x1a7: {  	v5 =	vld [tilespmem:$0x150];
	v3 =	vsub.s32 v3, v4  }
0x1a8: {  	[tilespmem:$0xAA0] =	vst v1;
	v1 =	vshll.u32 v3, $0x5;
	v3 =	vld [tilespmem:$0x1D0]  }
0x1a9: {  	v2 =	vld.idx.msk [tilespmem:v2+s15+$0x0], $0xffff;
	v1 =	vand.u32 $0x3E0, v1  }
0x1aa: {  	v1 =	vadd.s32 v4, v1;
	_ =	sdelay $0x2  }
0x1ab: {  	v4 =	vld [tilespmem:$0x160];
	v3 =	vsub.s32 v3, v5  }
0x1ac: {  	[tilespmem:$0xAB0] =	vst v2;
	v2 =	vshll.u32 v3, $0x5;
	v3 =	vld [tilespmem:$0x1E0]  }
0x1ad: {  	v1 =	vld.idx.msk [tilespmem:v1+s15+$0x0], $0xffff;
	v2 =	vand.u32 $0x3E0, v2  }
0x1ae: {  	v2 =	vadd.s32 v5, v2;
	_ =	sdelay $0x2  }
0x1af: {  	v5 =	vld [tilespmem:$0x170];
	v3 =	vsub.s32 v3, v4  }
0x1b0: {  	[tilespmem:$0xAC0] =	vst v1;
	v1 =	vshll.u32 v3, $0x5;
	v3 =	vld [tilespmem:$0x1F0]  }
0x1b1: {  	v2 =	vld.idx.msk [tilespmem:v2+s15+$0x0], $0xffff;
	v1 =	vand.u32 $0x3E0, v1  }
0x1b2: {  	v1 =	vadd.s32 v4, v1;
	_ =	sdelay $0x2  }
0x1b3: {  	v3 =	vsub.s32 v3, v5  }
0x1b4: {  	[tilespmem:$0xAD0] =	vst v2;
	v2 =	vshll.u32 v3, $0x5  }
0x1b5: {  	v1 =	vld.idx.msk [tilespmem:v1+s15+$0x0], $0xffff;
	v2 =	vand.u32 $0x3E0, v2  }
0x1b6: {  	v2 =	vadd.s32 v5, v2;
	_ =	sdelay $0x3  }
0x1b7: {  	[tilespmem:$0xAE0] =	vst v1  }
0x1b8: {  	v1 =	vld.idx.msk [tilespmem:v2+s15+$0x0], $0xffff;
	_ =	sdelay $0x4  }
0x1b9: {  	[tilespmem:$0xAF0] =	vst v1  }
0x1ba: {  	[hbm4b:s8+s3] =	stream.linear.scatter [tilespmem:s18], [sflag:$0x2], $0x80, $0x38;
	[tilespmem:$0xC40] =	vst v63  }
0x1bb: {  	v1 =	vld [tilespmem:$0x200]  }
0x1bc: {  	v2 =	vld [tilespmem:$0x280];
	_ =	sdelay $0x4  }
0x1bd: {  	v3 =	vld [tilespmem:$0x210];
	v2 =	vsub.s32 v2, v1  }
0x1be: {  	v4 =	vld [tilespmem:$0x290];
	v2 =	vshll.u32 v2, $0x5  }
0x1bf: {  	v2 =	vand.u32 $0x3E0, v2  }
0x1c0: {  	v1 =	vadd.s32 v1, v2;
	_ =	sdelay $0x2  }
0x1c1: {  	v5 =	vld [tilespmem:$0x2A0];
	v2 =	vsub.s32 v4, v3  }
0x1c2: {  	v4 =	vld [tilespmem:$0x220];
	v2 =	vshll.u32 v2, $0x5  }
0x1c3: {  	v2 =	vand.u32 $0x3E0, v2;
	v1 =	vld.idx.msk [tilespmem:v1+s15+$0x0], $0xffff  }
0x1c4: {  	v2 =	vadd.s32 v3, v2;
	_ =	sdelay $0x2  }
0x1c5: {  	v3 =	vsub.s32 v5, v4;
	v5 =	vld [tilespmem:$0x230]  }
0x1c6: {  	[tilespmem:$0xB00] =	vst v1;
	v1 =	vshll.u32 v3, $0x5;
	v3 =	vld [tilespmem:$0x2B0]  }
0x1c7: {  	v2 =	vld.idx.msk [tilespmem:v2+s15+$0x0], $0xffff;
	v1 =	vand.u32 $0x3E0, v1  }
0x1c8: {  	v1 =	vadd.s32 v4, v1;
	_ =	sdelay $0x2  }
0x1c9: {  	v4 =	vld [tilespmem:$0x240];
	v3 =	vsub.s32 v3, v5  }
0x1ca: {  	[tilespmem:$0xB10] =	vst v2;
	v2 =	vshll.u32 v3, $0x5;
	v3 =	vld [tilespmem:$0x2C0]  }
0x1cb: {  	v1 =	vld.idx.msk [tilespmem:v1+s15+$0x0], $0xffff;
	v2 =	vand.u32 $0x3E0, v2  }
0x1cc: {  	v2 =	vadd.s32 v5, v2;
	_ =	sdelay $0x2  }
0x1cd: {  	v5 =	vld [tilespmem:$0x250];
	v3 =	vsub.s32 v3, v4  }
0x1ce: {  	[tilespmem:$0xB20] =	vst v1;
	v1 =	vshll.u32 v3, $0x5;
	v3 =	vld [tilespmem:$0x2D0]  }
0x1cf: {  	v2 =	vld.idx.msk [tilespmem:v2+s15+$0x0], $0xffff;
	v1 =	vand.u32 $0x3E0, v1  }
0x1d0: {  	v1 =	vadd.s32 v4, v1;
	_ =	sdelay $0x2  }
0x1d1: {  	v4 =	vld [tilespmem:$0x260];
	v3 =	vsub.s32 v3, v5  }
0x1d2: {  	[tilespmem:$0xB30] =	vst v2;
	v2 =	vshll.u32 v3, $0x5;
	v3 =	vld [tilespmem:$0x2E0]  }
0x1d3: {  	v1 =	vld.idx.msk [tilespmem:v1+s15+$0x0], $0xffff;
	v2 =	vand.u32 $0x3E0, v2  }
0x1d4: {  	v2 =	vadd.s32 v5, v2;
	_ =	sdelay $0x2  }
0x1d5: {  	v5 =	vld [tilespmem:$0x270];
	v3 =	vsub.s32 v3, v4  }
0x1d6: {  	[tilespmem:$0xB40] =	vst v1;
	v1 =	vshll.u32 v3, $0x5;
	v3 =	vld [tilespmem:$0x2F0]  }
0x1d7: {  	v2 =	vld.idx.msk [tilespmem:v2+s15+$0x0], $0xffff;
	v1 =	vand.u32 $0x3E0, v1  }
0x1d8: {  	v1 =	vadd.s32 v4, v1;
	_ =	sdelay $0x2  }
0x1d9: {  	v3 =	vsub.s32 v3, v5  }
0x1da: {  	[tilespmem:$0xB50] =	vst v2;
	v2 =	vshll.u32 v3, $0x5  }
0x1db: {  	v1 =	vld.idx.msk [tilespmem:v1+s15+$0x0], $0xffff;
	v2 =	vand.u32 $0x3E0, v2  }
0x1dc: {  	v2 =	vadd.s32 v5, v2;
	_ =	sdelay $0x3  }
0x1dd: {  	[tilespmem:$0xB60] =	vst v1  }
0x1de: {  	v1 =	vld.idx.msk [tilespmem:v2+s15+$0x0], $0xffff;
	_ =	sdelay $0x4  }
0x1df: {  	[tilespmem:$0xB70] =	vst v1  }
0x1e0: {  	[hbm4b:s9+s3] =	stream.linear.scatter [tilespmem:s19], [sflag:$0x2], $0x80, $0x38;
	[tilespmem:$0xC40] =	vst v63  }
0x1e1: {  	v1 =	vld [tilespmem:$0x300]  }
0x1e2: {  	v2 =	vld [tilespmem:$0x380];
	_ =	sdelay $0x4  }
0x1e3: {  	v3 =	vld [tilespmem:$0x310];
	v2 =	vsub.s32 v2, v1  }
0x1e4: {  	v4 =	vld [tilespmem:$0x390];
	v2 =	vshll.u32 v2, $0x5  }
0x1e5: {  	v2 =	vand.u32 $0x3E0, v2  }
0x1e6: {  	v1 =	vadd.s32 v1, v2;
	_ =	sdelay $0x2  }
0x1e7: {  	v5 =	vld [tilespmem:$0x3A0];
	v2 =	vsub.s32 v4, v3  }
0x1e8: {  	v4 =	vld [tilespmem:$0x320];
	v2 =	vshll.u32 v2, $0x5  }
0x1e9: {  	v2 =	vand.u32 $0x3E0, v2;
	v1 =	vld.idx.msk [tilespmem:v1+s15+$0x0], $0xffff  }
0x1ea: {  	v2 =	vadd.s32 v3, v2;
	_ =	sdelay $0x2  }
0x1eb: {  	v3 =	vsub.s32 v5, v4;
	v5 =	vld [tilespmem:$0x330]  }
0x1ec: {  	[tilespmem:$0xB80] =	vst v1;
	v1 =	vshll.u32 v3, $0x5;
	v3 =	vld [tilespmem:$0x3B0]  }
0x1ed: {  	v2 =	vld.idx.msk [tilespmem:v2+s15+$0x0], $0xffff;
	v1 =	vand.u32 $0x3E0, v1  }
0x1ee: {  	v1 =	vadd.s32 v4, v1;
	_ =	sdelay $0x2  }
0x1ef: {  	v4 =	vld [tilespmem:$0x340];
	v3 =	vsub.s32 v3, v5  }
0x1f0: {  	[tilespmem:$0xB90] =	vst v2;
	v2 =	vshll.u32 v3, $0x5;
	v3 =	vld [tilespmem:$0x3C0]  }
0x1f1: {  	v1 =	vld.idx.msk [tilespmem:v1+s15+$0x0], $0xffff;
	v2 =	vand.u32 $0x3E0, v2  }
0x1f2: {  	v2 =	vadd.s32 v5, v2;
	_ =	sdelay $0x2  }
0x1f3: {  	v5 =	vld [tilespmem:$0x350];
	v3 =	vsub.s32 v3, v4  }
0x1f4: {  	[tilespmem:$0xBA0] =	vst v1;
	v1 =	vshll.u32 v3, $0x5;
	v3 =	vld [tilespmem:$0x3D0]  }
0x1f5: {  	v2 =	vld.idx.msk [tilespmem:v2+s15+$0x0], $0xffff;
	v1 =	vand.u32 $0x3E0, v1  }
0x1f6: {  	v1 =	vadd.s32 v4, v1;
	_ =	sdelay $0x2  }
0x1f7: {  	v4 =	vld [tilespmem:$0x360];
	v3 =	vsub.s32 v3, v5  }
0x1f8: {  	[tilespmem:$0xBB0] =	vst v2;
	v2 =	vshll.u32 v3, $0x5;
	v3 =	vld [tilespmem:$0x3E0]  }
0x1f9: {  	v1 =	vld.idx.msk [tilespmem:v1+s15+$0x0], $0xffff;
	v2 =	vand.u32 $0x3E0, v2  }
0x1fa: {  	v2 =	vadd.s32 v5, v2;
	_ =	sdelay $0x2  }
0x1fb: {  	v5 =	vld [tilespmem:$0x370];
	v3 =	vsub.s32 v3, v4  }
0x1fc: {  	[tilespmem:$0xBC0] =	vst v1;
	v1 =	vshll.u32 v3, $0x5;
	v3 =	vld [tilespmem:$0x3F0]  }
0x1fd: {  	v2 =	vld.idx.msk [tilespmem:v2+s15+$0x0], $0xffff;
	v1 =	vand.u32 $0x3E0, v1  }
0x1fe: {  	v1 =	vadd.s32 v4, v1;
	_ =	sdelay $0x2  }
0x1ff: {  	v3 =	vsub.s32 v3, v5  }
0x200: {  	[tilespmem:$0xBD0] =	vst v2;
	v2 =	vshll.u32 v3, $0x5  }
0x201: {  	v1 =	vld.idx.msk [tilespmem:v1+s15+$0x0], $0xffff;
	v2 =	vand.u32 $0x3E0, v2  }
0x202: {  	v2 =	vadd.s32 v5, v2;
	_ =	sdelay $0x3  }
0x203: {  	[tilespmem:$0xBE0] =	vst v1  }
0x204: {  	v1 =	vld.idx.msk [tilespmem:v2+s15+$0x0], $0xffff;
	_ =	sdelay $0x4  }
0x205: {  	[tilespmem:$0xBF0] =	vst v1  }
0x206: {  	[hbm4b:s10+s3] =	stream.linear.scatter [tilespmem:s20], [sflag:$0x2], $0x80, $0x38;
	[tilespmem:$0xC40] =	vst v63  }
0x207: {  	_ =	swait.ge [sflag:s21], $0x80  }
0x208: {  	[sflag:s21] =	ssyncset.done $0x0  }
0x209: {  	[sflag:s21] =	ssyncadd.s32 $0xFFFFFF80  }
0x20a: {  	_ =	swait.ge [sflag:s21], $0x80  }
0x20b: {  	[sflag:s21] =	ssyncset.done $0x0  }
0x20c: {  	[sflag:s21] =	ssyncadd.s32 $0xFFFFFF80  }
0x20d: {  	p0 =	sne.s32 s11, $0x1;
	_ =	swait.ge [sflag:s21], $0x80  }
.Ltmp0:
0x20e: {  	[sflag:s21] =	ssyncset.done $0x0;
	(pc) =	sbr.rel @p0 .LBB2_1-.Ltmp0, $4  }
0x20f: {  	[sflag:s21] =	ssyncadd.s32 $0xFFFFFF80  }
0x210: {  	_ =	swait.ge [sflag:s21], $0x80  }
0x211: {  	[sflag:s21] =	ssyncset.done $0x0  }
0x212: {  	s11 =	sadd.s32 $0xFFFFFFFF, s11;
	[sflag:s21] =	ssyncadd.s32 $0xFFFFFF80  }
0x213: {  	_ =	sfence.sel $0x180000  }
0x214: {  	[bflag:$0x0] =	sbarrier.arrive $0xFFFF  }
0x215: {  	p0 =	sne.s32 s0, $0x0;
	_ =	strace $0x90000047  }
0x216: {  	s0 =	sadd.s32 @!p0 $0x100000, s1;
	[bflag:$0x2] =	sbarrier.arrive $0xFFFF  }
0x217: {  	[sflag:s0] =	ssyncadd.tile.s32 @!p0 $0x1;
	_ =	shalt  }
.Lfunc_end2:
_tile_overlayer_lowered:
.L_overlay_start_2:
0x218: {  	(tag) =	ssettag $0x2  }
0x219: {  	s0 =	rddreg [dreg:$0x0];
	s2 =	stileid.u32  }
0x21a: {  	s1 =	rddreg [dreg:$0x1];
	p0 =	sne.s32 s2, $0x0  }
0x21b: {  	s3 =	rddreg [dreg:$0x2];
	[bflag:$0x3] =	sbarrier.arrive $0xFFFF;
	s2 =	simm.s32 @!p0 $0x1C03  }
0x21c: {  	[timem:s3], [sflag:s2] =	dma.local @!p0 [hbm:s0], s1  }
0x21d: {  	s0 =	simm.s32 @!p0 $0x3  }
0x21e: {  	_ =	swait.ge @!p0 [sflag:s0], s1  }
0x21f: {  	s1 =	ssub.s32 @!p0 $0x0, s1;
	[sflag:s0] =	ssyncset.done @!p0 $0x0  }
0x220: {  	[sflag:s0] =	ssyncadd.s32 @!p0 s1  }
0x221: {  	[bflag:$0x3] =	sbarrier.arrive $0xFFFF  }
0x222: {  	_ =	shalt  }

</sc_bundles>
